<compile_context>
chip_gen: v7x
topology: tpu7x:2x2x1
jax: 0.10.2.dev20260603
libtpu: 0.0.44.dev20260713+nightly
codegen_flags: <defaults>
</compile_context>

<pallas_src>
import functools

import jax
import jax.numpy as jnp
from jax import lax
from jax.experimental import pallas as pl
from jax.experimental.pallas import tpu as pltpu
from jax.experimental.pallas import tpu_sc as plsc

G = 2
V = 320
GV = G * V
D = 512
CD = 128
N = 16384
BLK = 1024
NBLK = N // BLK

SC_NC = 2
SC_NS = 16
SC_NW = SC_NC * SC_NS
ROWS_PER_W = (G * N) // SC_NW
SC_CHUNK = 128
SC_NCHUNK = ROWS_PER_W // SC_CHUNK


def _tc_body(hs_ref, w_ref, b_ref, nz_ref, c_ref, idx_ref, ppl_ref, acc_ref):
    j = pl.program_id(0)
    h = jnp.dot(hs_ref[...], w_ref[...], preferred_element_type=jnp.float32)
    h = h + b_ref[0:1, :]
    lane = lax.broadcasted_iota(jnp.int32, h.shape, 1)
    m0 = lane < V
    neg = jnp.float32(-jnp.inf)

    z = h + nz_ref[...]
    mz0 = jnp.max(jnp.where(m0, z, neg), axis=-1, keepdims=True)
    mz1 = jnp.max(jnp.where(m0, neg, z), axis=-1, keepdims=True)
    eq = (z == jnp.where(m0, mz0, mz1)).astype(jnp.float32)
    idxf = jnp.dot(eq, c_ref[...], preferred_element_type=jnp.float32)
    vals = idxf[:, 0:2] * 16.0 + idxf[:, 2:4]
    idx_ref[:, 0:2] = jnp.clip(vals.astype(jnp.int32), 0, GV - 1)

    e = jnp.exp(h)
    s0 = jnp.sum(jnp.where(m0, e, 0.0), axis=-1, keepdims=True)
    s1 = jnp.sum(jnp.where(m0, 0.0, e), axis=-1, keepdims=True)
    p = e / jnp.where(m0, s0, s1)
    part = jnp.broadcast_to(jnp.sum(p, axis=0, keepdims=True), (8, GV))

    @pl.when(j == 0)
    def _():
        acc_ref[...] = part

    @pl.when(j != 0)
    def _():
        acc_ref[...] = acc_ref[...] + part

    @pl.when(j == NBLK - 1)
    def _():
        marg = acc_ref[0:1, :] * jnp.float32(1.0 / N)
        t = marg * jnp.log(marg + 1e-7)
        t0 = jnp.sum(jnp.where(m0[0:1, :], t, 0.0))
        t1 = jnp.sum(jnp.where(m0[0:1, :], 0.0, t))
        ppl_ref[0, 0] = jnp.exp(-t0) + jnp.exp(-t1)


IC = 8


def _tc_stage(hs2, w, b2, nz, cmat):
    return pl.pallas_call(
        _tc_body,
        grid=(NBLK,),
        in_specs=[
            pl.BlockSpec((BLK, D), lambda j: (j, 0)),
            pl.BlockSpec((D, GV), lambda j: (0, 0)),
            pl.BlockSpec((8, GV), lambda j: (0, 0)),
            pl.BlockSpec((BLK, GV), lambda j: (j, 0)),
            pl.BlockSpec((GV, IC), lambda j: (0, 0)),
        ],
        out_specs=[
            pl.BlockSpec((BLK, IC), lambda j: (j, 0)),
            pl.BlockSpec(memory_space=pltpu.SMEM),
        ],
        out_shape=[
            jax.ShapeDtypeStruct((N, IC), jnp.int32),
            jax.ShapeDtypeStruct((1, 1), jnp.float32),
        ],
        scratch_shapes=[pltpu.VMEM((8, GV), jnp.float32)],
    )(hs2, w, b2, nz, cmat)


def _sc_body(table_hbm, idx_hbm, out_hbm, idx_v, rows_v, sem):
    wid = lax.axis_index("s") * SC_NC + lax.axis_index("c")
    for k in range(SC_NCHUNK):
        row = wid * SC_NCHUNK + k
        pltpu.sync_copy(idx_hbm.at[row], idx_v)
        pltpu.async_copy(table_hbm.at[idx_v], rows_v, sem).wait()
        pltpu.sync_copy(rows_v, out_hbm.at[pl.ds(row * SC_CHUNK, SC_CHUNK)])


def _sc_gather(table, idx_m):
    call = pl.kernel(
        _sc_body,
        out_type=jax.ShapeDtypeStruct((G * N, CD), jnp.float32),
        mesh=plsc.VectorSubcoreMesh(
            core_axis_name="c", subcore_axis_name="s",
            num_cores=SC_NC, num_subcores=SC_NS,
        ),
        scratch_types=[
            pltpu.VMEM((SC_CHUNK,), jnp.int32),
            pltpu.VMEM((SC_CHUNK, CD), jnp.float32),
            pltpu.SemaphoreType.DMA,
        ],
    )
    return call(table, idx_m)


def kernel(hidden_states, W, b, codevectors):
    B, T, _ = hidden_states.shape
    hs2 = hidden_states.reshape(N, D)
    u = jax.random.uniform(jax.random.key(42), (N * G, V), minval=1e-10, maxval=1.0)
    nz = (-jnp.log(-jnp.log(u))).reshape(N, GV)
    b2 = jnp.broadcast_to(b.reshape(1, GV), (8, GV))
    v = jnp.arange(GV, dtype=jnp.float32)
    hi, lo = jnp.floor(v / 16.0), v % 16.0
    g0, g1 = v < V, v >= V
    cmat = jnp.zeros((GV, IC), jnp.float32)
    cmat = cmat.at[:, 0].set(jnp.where(g0, hi, 0.0))
    cmat = cmat.at[:, 1].set(jnp.where(g1, hi, 0.0))
    cmat = cmat.at[:, 2].set(jnp.where(g0, lo, 0.0))
    cmat = cmat.at[:, 3].set(jnp.where(g1, lo, 0.0))

    idx8, ppl = _tc_stage(hs2, W, b2, nz, cmat)

    idx_m = (idx8[:, :G].reshape(N // 8, 8, G)
             .transpose(0, 2, 1).reshape(G * N // CD, CD))
    table = codevectors.reshape(GV, CD)
    rows = _sc_gather(table, idx_m)
    cv = (rows.reshape(G * N // 16, G, 8, CD)
          .transpose(0, 2, 1, 3).reshape(B, T, G * CD))
    return cv, ppl[0, 0]

# --- scband reference (transcript-rebuilt; emitter-appended) ---
"""Pipeline reference for scband-wav2-vec2-pre-trainer-26001732009985 (READ-ONLY COPY).

The authoritative reference and input builder live on the scoring server;
editing this copy changes nothing except your own understanding.
"""

import jax, jax.numpy as jnp
import numpy as np

G = 2
V = 320
TAU = 2.0


def setup_inputs(seed: int = 0) -> dict:
    key = jax.random.key(seed)
    k1, k2, k3 = jax.random.split(key, 3)
    hidden_states = jax.random.normal(k1, (8, 2048, 512), dtype=jnp.float32)
    W = jax.random.normal(k2, (512, G * V), dtype=jnp.float32) * 0.02
    b = jnp.zeros((G * V,), dtype=jnp.float32)
    codevectors = jax.random.uniform(k3, (1, G * V, 256 // G), dtype=jnp.float32)
    return {"hidden_states": hidden_states, "W": W, "b": b, "codevectors": codevectors}


def _gumbel_softmax_hard(logits, tau, key):
    u = jax.random.uniform(key, logits.shape, minval=1e-10, maxval=1.0)
    g = -jnp.log(-jnp.log(u))
    y_soft = jax.nn.softmax((logits + g) / tau, axis=-1)
    idx = jnp.argmax(y_soft, axis=-1)
    y_hard = jax.nn.one_hot(idx, logits.shape[-1], dtype=logits.dtype)
    # straight-through: forward value is hard one-hot, gradient flows via y_soft
    return y_hard + y_soft - jax.lax.stop_gradient(y_soft)


def _compute_perplexity(probs):
    marginal_probs = probs.mean(axis=0)
    return jnp.exp(-jnp.sum(marginal_probs * jnp.log(marginal_probs + 1e-07), axis=-1)).sum()


def reference(hidden_states, W, b, codevectors):
    B, T, D = hidden_states.shape
    h = hidden_states @ W + b
    logits = h.reshape(B * T * G, V)
    codevector_probs = _gumbel_softmax_hard(logits.astype(jnp.float32), TAU, jax.random.key(42))
    codevector_soft_dist = jax.nn.softmax(h.reshape(B * T, G, V).astype(jnp.float32), axis=-1)
    perplexity = _compute_perplexity(codevector_soft_dist)
    # probs[:, :, None] * codebook, then sum over vars within each group == einsum
    p = codevector_probs.reshape(B * T, G, V)
    cb = codevectors.reshape(G, V, -1)
    cv = jnp.einsum('ngv,gvd->ngd', p, cb).reshape(B, T, -1)
    return cv, perplexity

if __name__ == "__main__":
    import jax
    _d = setup_inputs()
    print(jax.jit(kernel)(*tuple(_d.values())))

</pallas_src>

<mosaic_0001>
#map = affine_map<(d0, d1) -> (0, 0)>
module attributes {stable_mosaic.version = 14 : i64} {
  func.func @_sc_body(%arg0: i32, %arg1: i32, %arg2: memref<640x128xf32, #tpu.memory_space<hbm>>, %arg3: memref<256x128xi32, #tpu.memory_space<hbm>>, %arg4: memref<32768x128xf32, #tpu.memory_space<hbm>>, %arg5: memref<128xi32, #tpu.memory_space<vmem>>, %arg6: memref<128x128xf32, #tpu.memory_space<vmem>>, %arg7: memref<!tpu.dma_semaphore, #tpu.memory_space<semaphore_mem>>) attributes {dimension_semantics = [#tpu.dimension_semantics<core_parallel>, #tpu.dimension_semantics<subcore_parallel>], iteration_bounds = array<i64: 2, 16>, scalar_prefetch = 0 : i64, scratch_operands = 3 : i64, tpu.core_type = #tpu.core_type<sc_vector_subcore>, window_params = [{transform_indices = #map}, {transform_indices = #map}, {transform_indices = #map}]} {
    %mul3A = arith.constant 2 : i32
    %mul3A_0 = arith.muli %arg1, %mul3A : i32
    %add3A = arith.addi %mul3A_0, %arg0 : i32
    %mul3A_1 = arith.constant 8 : i32
    %mul3A_2 = arith.muli %add3A, %mul3A_1 : i32
    %add3A_3 = arith.constant 0 : i32
    %add3A_4 = arith.addi %mul3A_2, %add3A_3 : i32
    "tpu.region"() ({
      %run_scoped3A = tpu.sem_alloc : memref<!tpu.dma_semaphore, #tpu.memory_space<semaphore_mem>>
      %dma_start3A_95 = arith.constant 0 : i32
      %dma_start3A_96 = tpu.memref_slice %arg3[%add3A_4, %dma_start3A_95] : memref<256x128xi32, #tpu.memory_space<hbm>> -> memref<1x128xi32, #tpu.memory_space<hbm>>
      %dma_start3A_97 = tpu.memref_squeeze %dma_start3A_96 : memref<1x128xi32, #tpu.memory_space<hbm>> -> memref<128xi32, #tpu.memory_space<hbm>>
      %dma_start3A_98 = arith.constant 0 : i32
      %dma_start3A_99 = tpu.memref_slice %arg3[%add3A_4, %dma_start3A_98] : memref<256x128xi32, #tpu.memory_space<hbm>> -> memref<1x128xi32, #tpu.memory_space<hbm>>
      %dma_start3A_100 = tpu.memref_squeeze %dma_start3A_99 : memref<1x128xi32, #tpu.memory_space<hbm>> -> memref<128xi32, #tpu.memory_space<hbm>>
      tpu.enqueue_dma source(%dma_start3A_100 : memref<128xi32, #tpu.memory_space<hbm>>) target(%arg5 : memref<128xi32, #tpu.memory_space<vmem>>) target_semaphore(%run_scoped3A : memref<!tpu.dma_semaphore, #tpu.memory_space<semaphore_mem>>)
      %dma_wait3A_101 = arith.constant 0 : i32
      %dma_wait3A_102 = tpu.memref_slice %arg3[%add3A_4, %dma_wait3A_101] : memref<256x128xi32, #tpu.memory_space<hbm>> -> memref<1x128xi32, #tpu.memory_space<hbm>>
      %dma_wait3A_103 = tpu.memref_squeeze %dma_wait3A_102 : memref<1x128xi32, #tpu.memory_space<hbm>> -> memref<128xi32, #tpu.memory_space<hbm>>
      %dma_wait3A_104 = arith.constant 0 : i32
      %dma_wait3A_105 = tpu.memref_slice %arg3[%add3A_4, %dma_wait3A_104] : memref<256x128xi32, #tpu.memory_space<hbm>> -> memref<1x128xi32, #tpu.memory_space<hbm>>
      %dma_wait3A_106 = tpu.memref_squeeze %dma_wait3A_105 : memref<1x128xi32, #tpu.memory_space<hbm>> -> memref<128xi32, #tpu.memory_space<hbm>>
      tpu.wait_dma2 semaphore(%run_scoped3A : memref<!tpu.dma_semaphore, #tpu.memory_space<semaphore_mem>>) src(%dma_wait3A_106 : memref<128xi32, #tpu.memory_space<hbm>>) dst(%arg5 : memref<128xi32, #tpu.memory_space<vmem>>)
      tpu.yield
    }) : () -> ()
    %dma_start3A = arith.constant 0 : i32
    %dma_start3A_5 = arith.constant 0 : i32
    %dma_start3A_6 = tpu.memref_slice %arg2[%dma_start3A, %dma_start3A_5] : memref<640x128xf32, #tpu.memory_space<hbm>> -> memref<640x128xf32, #tpu.memory_space<hbm>>
    tpu.enqueue_indirect_dma source(%dma_start3A_6 : memref<640x128xf32, #tpu.memory_space<hbm>>) target(%arg6 : memref<128x128xf32, #tpu.memory_space<vmem>>) offsets(%arg5 : memref<128xi32, #tpu.memory_space<vmem>>) semaphore(%arg7 : memref<!tpu.dma_semaphore, #tpu.memory_space<semaphore_mem>>)
    %dma_wait3A = arith.constant 0 : i32
    %dma_wait3A_7 = arith.constant 0 : i32
    %dma_wait3A_8 = tpu.memref_slice %arg2[%dma_wait3A, %dma_wait3A_7] : memref<640x128xf32, #tpu.memory_space<hbm>> -> memref<640x128xf32, #tpu.memory_space<hbm>>
    tpu.wait_indirect_dma semaphore(%arg7 : memref<!tpu.dma_semaphore, #tpu.memory_space<semaphore_mem>>) src(%dma_wait3A_8 : memref<640x128xf32, #tpu.memory_space<hbm>>) dst(%arg6 : memref<128x128xf32, #tpu.memory_space<vmem>>)
    %mul3A_9 = arith.constant 128 : i32
    %mul3A_10 = arith.muli %add3A_4, %mul3A_9 : i32
    "tpu.region"() ({
      %run_scoped3A = tpu.sem_alloc : memref<!tpu.dma_semaphore, #tpu.memory_space<semaphore_mem>>
      %dma_start3A_95 = arith.constant 0 : i32
      %dma_start3A_96 = tpu.memref_slice %arg4[%mul3A_10, %dma_start3A_95] : memref<32768x128xf32, #tpu.memory_space<hbm>> -> memref<128x128xf32, #tpu.memory_space<hbm>>
      %dma_start3A_97 = arith.constant 0 : i32
      %dma_start3A_98 = tpu.memref_slice %arg4[%mul3A_10, %dma_start3A_97] : memref<32768x128xf32, #tpu.memory_space<hbm>> -> memref<128x128xf32, #tpu.memory_space<hbm>>
      tpu.enqueue_dma source(%arg6 : memref<128x128xf32, #tpu.memory_space<vmem>>) target(%dma_start3A_98 : memref<128x128xf32, #tpu.memory_space<hbm>>) target_semaphore(%run_scoped3A : memref<!tpu.dma_semaphore, #tpu.memory_space<semaphore_mem>>)
      %dma_wait3A_99 = arith.constant 0 : i32
      %dma_wait3A_100 = tpu.memref_slice %arg4[%mul3A_10, %dma_wait3A_99] : memref<32768x128xf32, #tpu.memory_space<hbm>> -> memref<128x128xf32, #tpu.memory_space<hbm>>
      %dma_wait3A_101 = arith.constant 0 : i32
      %dma_wait3A_102 = tpu.memref_slice %arg4[%mul3A_10, %dma_wait3A_101] : memref<32768x128xf32, #tpu.memory_space<hbm>> -> memref<128x128xf32, #tpu.memory_space<hbm>>
      tpu.wait_dma2 semaphore(%run_scoped3A : memref<!tpu.dma_semaphore, #tpu.memory_space<semaphore_mem>>) src(%arg6 : memref<128x128xf32, #tpu.memory_space<vmem>>) dst(%dma_wait3A_102 : memref<128x128xf32, #tpu.memory_space<hbm>>)
      tpu.yield
    }) : () -> ()
    %mul3A_11 = arith.constant 8 : i32
    %mul3A_12 = arith.muli %add3A, %mul3A_11 : i32
    %add3A_13 = arith.constant 1 : i32
    %add3A_14 = arith.addi %mul3A_12, %add3A_13 : i32
    "tpu.region"() ({
      %run_scoped3A = tpu.sem_alloc : memref<!tpu.dma_semaphore, #tpu.memory_space<semaphore_mem>>
      %dma_start3A_95 = arith.constant 0 : i32
      %dma_start3A_96 = tpu.memref_slice %arg3[%add3A_14, %dma_start3A_95] : memref<256x128xi32, #tpu.memory_space<hbm>> -> memref<1x128xi32, #tpu.memory_space<hbm>>
      %dma_start3A_97 = tpu.memref_squeeze %dma_start3A_96 : memref<1x128xi32, #tpu.memory_space<hbm>> -> memref<128xi32, #tpu.memory_space<hbm>>
      %dma_start3A_98 = arith.constant 0 : i32
      %dma_start3A_99 = tpu.memref_slice %arg3[%add3A_14, %dma_start3A_98] : memref<256x128xi32, #tpu.memory_space<hbm>> -> memref<1x128xi32, #tpu.memory_space<hbm>>
      %dma_start3A_100 = tpu.memref_squeeze %dma_start3A_99 : memref<1x128xi32, #tpu.memory_space<hbm>> -> memref<128xi32, #tpu.memory_space<hbm>>
      tpu.enqueue_dma source(%dma_start3A_100 : memref<128xi32, #tpu.memory_space<hbm>>) target(%arg5 : memref<128xi32, #tpu.memory_space<vmem>>) target_semaphore(%run_scoped3A : memref<!tpu.dma_semaphore, #tpu.memory_space<semaphore_mem>>)
      %dma_wait3A_101 = arith.constant 0 : i32
      %dma_wait3A_102 = tpu.memref_slice %arg3[%add3A_14, %dma_wait3A_101] : memref<256x128xi32, #tpu.memory_space<hbm>> -> memref<1x128xi32, #tpu.memory_space<hbm>>
      %dma_wait3A_103 = tpu.memref_squeeze %dma_wait3A_102 : memref<1x128xi32, #tpu.memory_space<hbm>> -> memref<128xi32, #tpu.memory_space<hbm>>
      %dma_wait3A_104 = arith.constant 0 : i32
      %dma_wait3A_105 = tpu.memref_slice %arg3[%add3A_14, %dma_wait3A_104] : memref<256x128xi32, #tpu.memory_space<hbm>> -> memref<1x128xi32, #tpu.memory_space<hbm>>
      %dma_wait3A_106 = tpu.memref_squeeze %dma_wait3A_105 : memref<1x128xi32, #tpu.memory_space<hbm>> -> memref<128xi32, #tpu.memory_space<hbm>>
      tpu.wait_dma2 semaphore(%run_scoped3A : memref<!tpu.dma_semaphore, #tpu.memory_space<semaphore_mem>>) src(%dma_wait3A_106 : memref<128xi32, #tpu.memory_space<hbm>>) dst(%arg5 : memref<128xi32, #tpu.memory_space<vmem>>)
      tpu.yield
    }) : () -> ()
    %dma_start3A_15 = arith.constant 0 : i32
    %dma_start3A_16 = arith.constant 0 : i32
    %dma_start3A_17 = tpu.memref_slice %arg2[%dma_start3A_15, %dma_start3A_16] : memref<640x128xf32, #tpu.memory_space<hbm>> -> memref<640x128xf32, #tpu.memory_space<hbm>>
    tpu.enqueue_indirect_dma source(%dma_start3A_17 : memref<640x128xf32, #tpu.memory_space<hbm>>) target(%arg6 : memref<128x128xf32, #tpu.memory_space<vmem>>) offsets(%arg5 : memref<128xi32, #tpu.memory_space<vmem>>) semaphore(%arg7 : memref<!tpu.dma_semaphore, #tpu.memory_space<semaphore_mem>>)
    %dma_wait3A_18 = arith.constant 0 : i32
    %dma_wait3A_19 = arith.constant 0 : i32
    %dma_wait3A_20 = tpu.memref_slice %arg2[%dma_wait3A_18, %dma_wait3A_19] : memref<640x128xf32, #tpu.memory_space<hbm>> -> memref<640x128xf32, #tpu.memory_space<hbm>>
    tpu.wait_indirect_dma semaphore(%arg7 : memref<!tpu.dma_semaphore, #tpu.memory_space<semaphore_mem>>) src(%dma_wait3A_20 : memref<640x128xf32, #tpu.memory_space<hbm>>) dst(%arg6 : memref<128x128xf32, #tpu.memory_space<vmem>>)
    %mul3A_21 = arith.constant 128 : i32
    %mul3A_22 = arith.muli %add3A_14, %mul3A_21 : i32
    "tpu.region"() ({
      %run_scoped3A = tpu.sem_alloc : memref<!tpu.dma_semaphore, #tpu.memory_space<semaphore_mem>>
      %dma_start3A_95 = arith.constant 0 : i32
      %dma_start3A_96 = tpu.memref_slice %arg4[%mul3A_22, %dma_start3A_95] : memref<32768x128xf32, #tpu.memory_space<hbm>> -> memref<128x128xf32, #tpu.memory_space<hbm>>
      %dma_start3A_97 = arith.constant 0 : i32
      %dma_start3A_98 = tpu.memref_slice %arg4[%mul3A_22, %dma_start3A_97] : memref<32768x128xf32, #tpu.memory_space<hbm>> -> memref<128x128xf32, #tpu.memory_space<hbm>>
      tpu.enqueue_dma source(%arg6 : memref<128x128xf32, #tpu.memory_space<vmem>>) target(%dma_start3A_98 : memref<128x128xf32, #tpu.memory_space<hbm>>) target_semaphore(%run_scoped3A : memref<!tpu.dma_semaphore, #tpu.memory_space<semaphore_mem>>)
      %dma_wait3A_99 = arith.constant 0 : i32
      %dma_wait3A_100 = tpu.memref_slice %arg4[%mul3A_22, %dma_wait3A_99] : memref<32768x128xf32, #tpu.memory_space<hbm>> -> memref<128x128xf32, #tpu.memory_space<hbm>>
      %dma_wait3A_101 = arith.constant 0 : i32
      %dma_wait3A_102 = tpu.memref_slice %arg4[%mul3A_22, %dma_wait3A_101] : memref<32768x128xf32, #tpu.memory_space<hbm>> -> memref<128x128xf32, #tpu.memory_space<hbm>>
      tpu.wait_dma2 semaphore(%run_scoped3A : memref<!tpu.dma_semaphore, #tpu.memory_space<semaphore_mem>>) src(%arg6 : memref<128x128xf32, #tpu.memory_space<vmem>>) dst(%dma_wait3A_102 : memref<128x128xf32, #tpu.memory_space<hbm>>)
      tpu.yield
    }) : () -> ()
    %mul3A_23 = arith.constant 8 : i32
    %mul3A_24 = arith.muli %add3A, %mul3A_23 : i32
    %add3A_25 = arith.constant 2 : i32
    %add3A_26 = arith.addi %mul3A_24, %add3A_25 : i32
    "tpu.region"() ({
      %run_scoped3A = tpu.sem_alloc : memref<!tpu.dma_semaphore, #tpu.memory_space<semaphore_mem>>
      %dma_start3A_95 = arith.constant 0 : i32
      %dma_start3A_96 = tpu.memref_slice %arg3[%add3A_26, %dma_start3A_95] : memref<256x128xi32, #tpu.memory_space<hbm>> -> memref<1x128xi32, #tpu.memory_space<hbm>>
      %dma_start3A_97 = tpu.memref_squeeze %dma_start3A_96 : memref<1x128xi32, #tpu.memory_space<hbm>> -> memref<128xi32, #tpu.memory_space<hbm>>
      %dma_start3A_98 = arith.constant 0 : i32
      %dma_start3A_99 = tpu.memref_slice %arg3[%add3A_26, %dma_start3A_98] : memref<256x128xi32, #tpu.memory_space<hbm>> -> memref<1x128xi32, #tpu.memory_space<hbm>>
      %dma_start3A_100 = tpu.memref_squeeze %dma_start3A_99 : memref<1x128xi32, #tpu.memory_space<hbm>> -> memref<128xi32, #tpu.memory_space<hbm>>
      tpu.enqueue_dma source(%dma_start3A_100 : memref<128xi32, #tpu.memory_space<hbm>>) target(%arg5 : memref<128xi32, #tpu.memory_space<vmem>>) target_semaphore(%run_scoped3A : memref<!tpu.dma_semaphore, #tpu.memory_space<semaphore_mem>>)
      %dma_wait3A_101 = arith.constant 0 : i32
      %dma_wait3A_102 = tpu.memref_slice %arg3[%add3A_26, %dma_wait3A_101] : memref<256x128xi32, #tpu.memory_space<hbm>> -> memref<1x128xi32, #tpu.memory_space<hbm>>
      %dma_wait3A_103 = tpu.memref_squeeze %dma_wait3A_102 : memref<1x128xi32, #tpu.memory_space<hbm>> -> memref<128xi32, #tpu.memory_space<hbm>>
      %dma_wait3A_104 = arith.constant 0 : i32
      %dma_wait3A_105 = tpu.memref_slice %arg3[%add3A_26, %dma_wait3A_104] : memref<256x128xi32, #tpu.memory_space<hbm>> -> memref<1x128xi32, #tpu.memory_space<hbm>>
      %dma_wait3A_106 = tpu.memref_squeeze %dma_wait3A_105 : memref<1x128xi32, #tpu.memory_space<hbm>> -> memref<128xi32, #tpu.memory_space<hbm>>
      tpu.wait_dma2 semaphore(%run_scoped3A : memref<!tpu.dma_semaphore, #tpu.memory_space<semaphore_mem>>) src(%dma_wait3A_106 : memref<128xi32, #tpu.memory_space<hbm>>) dst(%arg5 : memref<128xi32, #tpu.memory_space<vmem>>)
      tpu.yield
    }) : () -> ()
    %dma_start3A_27 = arith.constant 0 : i32
    %dma_start3A_28 = arith.constant 0 : i32
    %dma_start3A_29 = tpu.memref_slice %arg2[%dma_start3A_27, %dma_start3A_28] : memref<640x128xf32, #tpu.memory_space<hbm>> -> memref<640x128xf32, #tpu.memory_space<hbm>>
    tpu.enqueue_indirect_dma source(%dma_start3A_29 : memref<640x128xf32, #tpu.memory_space<hbm>>) target(%arg6 : memref<128x128xf32, #tpu.memory_space<vmem>>) offsets(%arg5 : memref<128xi32, #tpu.memory_space<vmem>>) semaphore(%arg7 : memref<!tpu.dma_semaphore, #tpu.memory_space<semaphore_mem>>)
    %dma_wait3A_30 = arith.constant 0 : i32
    %dma_wait3A_31 = arith.constant 0 : i32
    %dma_wait3A_32 = tpu.memref_slice %arg2[%dma_wait3A_30, %dma_wait3A_31] : memref<640x128xf32, #tpu.memory_space<hbm>> -> memref<640x128xf32, #tpu.memory_space<hbm>>
    tpu.wait_indirect_dma semaphore(%arg7 : memref<!tpu.dma_semaphore, #tpu.memory_space<semaphore_mem>>) src(%dma_wait3A_32 : memref<640x128xf32, #tpu.memory_space<hbm>>) dst(%arg6 : memref<128x128xf32, #tpu.memory_space<vmem>>)
    %mul3A_33 = arith.constant 128 : i32
    %mul3A_34 = arith.muli %add3A_26, %mul3A_33 : i32
    "tpu.region"() ({
      %run_scoped3A = tpu.sem_alloc : memref<!tpu.dma_semaphore, #tpu.memory_space<semaphore_mem>>
      %dma_start3A_95 = arith.constant 0 : i32
      %dma_start3A_96 = tpu.memref_slice %arg4[%mul3A_34, %dma_start3A_95] : memref<32768x128xf32, #tpu.memory_space<hbm>> -> memref<128x128xf32, #tpu.memory_space<hbm>>
      %dma_start3A_97 = arith.constant 0 : i32
      %dma_start3A_98 = tpu.memref_slice %arg4[%mul3A_34, %dma_start3A_97] : memref<32768x128xf32, #tpu.memory_space<hbm>> -> memref<128x128xf32, #tpu.memory_space<hbm>>
      tpu.enqueue_dma source(%arg6 : memref<128x128xf32, #tpu.memory_space<vmem>>) target(%dma_start3A_98 : memref<128x128xf32, #tpu.memory_space<hbm>>) target_semaphore(%run_scoped3A : memref<!tpu.dma_semaphore, #tpu.memory_space<semaphore_mem>>)
      %dma_wait3A_99 = arith.constant 0 : i32
      %dma_wait3A_100 = tpu.memref_slice %arg4[%mul3A_34, %dma_wait3A_99] : memref<32768x128xf32, #tpu.memory_space<hbm>> -> memref<128x128xf32, #tpu.memory_space<hbm>>
      %dma_wait3A_101 = arith.constant 0 : i32
      %dma_wait3A_102 = tpu.memref_slice %arg4[%mul3A_34, %dma_wait3A_101] : memref<32768x128xf32, #tpu.memory_space<hbm>> -> memref<128x128xf32, #tpu.memory_space<hbm>>
      tpu.wait_dma2 semaphore(%run_scoped3A : memref<!tpu.dma_semaphore, #tpu.memory_space<semaphore_mem>>) src(%arg6 : memref<128x128xf32, #tpu.memory_space<vmem>>) dst(%dma_wait3A_102 : memref<128x128xf32, #tpu.memory_space<hbm>>)
      tpu.yield
    }) : () -> ()
    %mul3A_35 = arith.constant 8 : i32
    %mul3A_36 = arith.muli %add3A, %mul3A_35 : i32
    %add3A_37 = arith.constant 3 : i32
    %add3A_38 = arith.addi %mul3A_36, %add3A_37 : i32
    "tpu.region"() ({
      %run_scoped3A = tpu.sem_alloc : memref<!tpu.dma_semaphore, #tpu.memory_space<semaphore_mem>>
      %dma_start3A_95 = arith.constant 0 : i32
      %dma_start3A_96 = tpu.memref_slice %arg3[%add3A_38, %dma_start3A_95] : memref<256x128xi32, #tpu.memory_space<hbm>> -> memref<1x128xi32, #tpu.memory_space<hbm>>
      %dma_start3A_97 = tpu.memref_squeeze %dma_start3A_96 : memref<1x128xi32, #tpu.memory_space<hbm>> -> memref<128xi32, #tpu.memory_space<hbm>>
      %dma_start3A_98 = arith.constant 0 : i32
      %dma_start3A_99 = tpu.memref_slice %arg3[%add3A_38, %dma_start3A_98] : memref<256x128xi32, #tpu.memory_space<hbm>> -> memref<1x128xi32, #tpu.memory_space<hbm>>
      %dma_start3A_100 = tpu.memref_squeeze %dma_start3A_99 : memref<1x128xi32, #tpu.memory_space<hbm>> -> memref<128xi32, #tpu.memory_space<hbm>>
      tpu.enqueue_dma source(%dma_start3A_100 : memref<128xi32, #tpu.memory_space<hbm>>) target(%arg5 : memref<128xi32, #tpu.memory_space<vmem>>) target_semaphore(%run_scoped3A : memref<!tpu.dma_semaphore, #tpu.memory_space<semaphore_mem>>)
      %dma_wait3A_101 = arith.constant 0 : i32
      %dma_wait3A_102 = tpu.memref_slice %arg3[%add3A_38, %dma_wait3A_101] : memref<256x128xi32, #tpu.memory_space<hbm>> -> memref<1x128xi32, #tpu.memory_space<hbm>>
      %dma_wait3A_103 = tpu.memref_squeeze %dma_wait3A_102 : memref<1x128xi32, #tpu.memory_space<hbm>> -> memref<128xi32, #tpu.memory_space<hbm>>
      %dma_wait3A_104 = arith.constant 0 : i32
      %dma_wait3A_105 = tpu.memref_slice %arg3[%add3A_38, %dma_wait3A_104] : memref<256x128xi32, #tpu.memory_space<hbm>> -> memref<1x128xi32, #tpu.memory_space<hbm>>
      %dma_wait3A_106 = tpu.memref_squeeze %dma_wait3A_105 : memref<1x128xi32, #tpu.memory_space<hbm>> -> memref<128xi32, #tpu.memory_space<hbm>>
      tpu.wait_dma2 semaphore(%run_scoped3A : memref<!tpu.dma_semaphore, #tpu.memory_space<semaphore_mem>>) src(%dma_wait3A_106 : memref<128xi32, #tpu.memory_space<hbm>>) dst(%arg5 : memref<128xi32, #tpu.memory_space<vmem>>)
      tpu.yield
    }) : () -> ()
    %dma_start3A_39 = arith.constant 0 : i32
    %dma_start3A_40 = arith.constant 0 : i32
    %dma_start3A_41 = tpu.memref_slice %arg2[%dma_start3A_39, %dma_start3A_40] : memref<640x128xf32, #tpu.memory_space<hbm>> -> memref<640x128xf32, #tpu.memory_space<hbm>>
    tpu.enqueue_indirect_dma source(%dma_start3A_41 : memref<640x128xf32, #tpu.memory_space<hbm>>) target(%arg6 : memref<128x128xf32, #tpu.memory_space<vmem>>) offsets(%arg5 : memref<128xi32, #tpu.memory_space<vmem>>) semaphore(%arg7 : memref<!tpu.dma_semaphore, #tpu.memory_space<semaphore_mem>>)
    %dma_wait3A_42 = arith.constant 0 : i32
    %dma_wait3A_43 = arith.constant 0 : i32
    %dma_wait3A_44 = tpu.memref_slice %arg2[%dma_wait3A_42, %dma_wait3A_43] : memref<640x128xf32, #tpu.memory_space<hbm>> -> memref<640x128xf32, #tpu.memory_space<hbm>>
    tpu.wait_indirect_dma semaphore(%arg7 : memref<!tpu.dma_semaphore, #tpu.memory_space<semaphore_mem>>) src(%dma_wait3A_44 : memref<640x128xf32, #tpu.memory_space<hbm>>) dst(%arg6 : memref<128x128xf32, #tpu.memory_space<vmem>>)
    %mul3A_45 = arith.constant 128 : i32
    %mul3A_46 = arith.muli %add3A_38, %mul3A_45 : i32
    "tpu.region"() ({
      %run_scoped3A = tpu.sem_alloc : memref<!tpu.dma_semaphore, #tpu.memory_space<semaphore_mem>>
      %dma_start3A_95 = arith.constant 0 : i32
      %dma_start3A_96 = tpu.memref_slice %arg4[%mul3A_46, %dma_start3A_95] : memref<32768x128xf32, #tpu.memory_space<hbm>> -> memref<128x128xf32, #tpu.memory_space<hbm>>
      %dma_start3A_97 = arith.constant 0 : i32
      %dma_start3A_98 = tpu.memref_slice %arg4[%mul3A_46, %dma_start3A_97] : memref<32768x128xf32, #tpu.memory_space<hbm>> -> memref<128x128xf32, #tpu.memory_space<hbm>>
      tpu.enqueue_dma source(%arg6 : memref<128x128xf32, #tpu.memory_space<vmem>>) target(%dma_start3A_98 : memref<128x128xf32, #tpu.memory_space<hbm>>) target_semaphore(%run_scoped3A : memref<!tpu.dma_semaphore, #tpu.memory_space<semaphore_mem>>)
      %dma_wait3A_99 = arith.constant 0 : i32
      %dma_wait3A_100 = tpu.memref_slice %arg4[%mul3A_46, %dma_wait3A_99] : memref<32768x128xf32, #tpu.memory_space<hbm>> -> memref<128x128xf32, #tpu.memory_space<hbm>>
      %dma_wait3A_101 = arith.constant 0 : i32
      %dma_wait3A_102 = tpu.memref_slice %arg4[%mul3A_46, %dma_wait3A_101] : memref<32768x128xf32, #tpu.memory_space<hbm>> -> memref<128x128xf32, #tpu.memory_space<hbm>>
      tpu.wait_dma2 semaphore(%run_scoped3A : memref<!tpu.dma_semaphore, #tpu.memory_space<semaphore_mem>>) src(%arg6 : memref<128x128xf32, #tpu.memory_space<vmem>>) dst(%dma_wait3A_102 : memref<128x128xf32, #tpu.memory_space<hbm>>)
      tpu.yield
    }) : () -> ()
    %mul3A_47 = arith.constant 8 : i32
    %mul3A_48 = arith.muli %add3A, %mul3A_47 : i32
    %add3A_49 = arith.constant 4 : i32
    %add3A_50 = arith.addi %mul3A_48, %add3A_49 : i32
    "tpu.region"() ({
      %run_scoped3A = tpu.sem_alloc : memref<!tpu.dma_semaphore, #tpu.memory_space<semaphore_mem>>
      %dma_start3A_95 = arith.constant 0 : i32
      %dma_start3A_96 = tpu.memref_slice %arg3[%add3A_50, %dma_start3A_95] : memref<256x128xi32, #tpu.memory_space<hbm>> -> memref<1x128xi32, #tpu.memory_space<hbm>>
      %dma_start3A_97 = tpu.memref_squeeze %dma_start3A_96 : memref<1x128xi32, #tpu.memory_space<hbm>> -> memref<128xi32, #tpu.memory_space<hbm>>
      %dma_start3A_98 = arith.constant 0 : i32
      %dma_start3A_99 = tpu.memref_slice %arg3[%add3A_50, %dma_start3A_98] : memref<256x128xi32, #tpu.memory_space<hbm>> -> memref<1x128xi32, #tpu.memory_space<hbm>>
      %dma_start3A_100 = tpu.memref_squeeze %dma_start3A_99 : memref<1x128xi32, #tpu.memory_space<hbm>> -> memref<128xi32, #tpu.memory_space<hbm>>
      tpu.enqueue_dma source(%dma_start3A_100 : memref<128xi32, #tpu.memory_space<hbm>>) target(%arg5 : memref<128xi32, #tpu.memory_space<vmem>>) target_semaphore(%run_scoped3A : memref<!tpu.dma_semaphore, #tpu.memory_space<semaphore_mem>>)
      %dma_wait3A_101 = arith.constant 0 : i32
      %dma_wait3A_102 = tpu.memref_slice %arg3[%add3A_50, %dma_wait3A_101] : memref<256x128xi32, #tpu.memory_space<hbm>> -> memref<1x128xi32, #tpu.memory_space<hbm>>
      %dma_wait3A_103 = tpu.memref_squeeze %dma_wait3A_102 : memref<1x128xi32, #tpu.memory_space<hbm>> -> memref<128xi32, #tpu.memory_space<hbm>>
      %dma_wait3A_104 = arith.constant 0 : i32
      %dma_wait3A_105 = tpu.memref_slice %arg3[%add3A_50, %dma_wait3A_104] : memref<256x128xi32, #tpu.memory_space<hbm>> -> memref<1x128xi32, #tpu.memory_space<hbm>>
      %dma_wait3A_106 = tpu.memref_squeeze %dma_wait3A_105 : memref<1x128xi32, #tpu.memory_space<hbm>> -> memref<128xi32, #tpu.memory_space<hbm>>
      tpu.wait_dma2 semaphore(%run_scoped3A : memref<!tpu.dma_semaphore, #tpu.memory_space<semaphore_mem>>) src(%dma_wait3A_106 : memref<128xi32, #tpu.memory_space<hbm>>) dst(%arg5 : memref<128xi32, #tpu.memory_space<vmem>>)
      tpu.yield
    }) : () -> ()
    %dma_start3A_51 = arith.constant 0 : i32
    %dma_start3A_52 = arith.constant 0 : i32
    %dma_start3A_53 = tpu.memref_slice %arg2[%dma_start3A_51, %dma_start3A_52] : memref<640x128xf32, #tpu.memory_space<hbm>> -> memref<640x128xf32, #tpu.memory_space<hbm>>
    tpu.enqueue_indirect_dma source(%dma_start3A_53 : memref<640x128xf32, #tpu.memory_space<hbm>>) target(%arg6 : memref<128x128xf32, #tpu.memory_space<vmem>>) offsets(%arg5 : memref<128xi32, #tpu.memory_space<vmem>>) semaphore(%arg7 : memref<!tpu.dma_semaphore, #tpu.memory_space<semaphore_mem>>)
    %dma_wait3A_54 = arith.constant 0 : i32
    %dma_wait3A_55 = arith.constant 0 : i32
    %dma_wait3A_56 = tpu.memref_slice %arg2[%dma_wait3A_54, %dma_wait3A_55] : memref<640x128xf32, #tpu.memory_space<hbm>> -> memref<640x128xf32, #tpu.memory_space<hbm>>
    tpu.wait_indirect_dma semaphore(%arg7 : memref<!tpu.dma_semaphore, #tpu.memory_space<semaphore_mem>>) src(%dma_wait3A_56 : memref<640x128xf32, #tpu.memory_space<hbm>>) dst(%arg6 : memref<128x128xf32, #tpu.memory_space<vmem>>)
    %mul3A_57 = arith.constant 128 : i32
    %mul3A_58 = arith.muli %add3A_50, %mul3A_57 : i32
    "tpu.region"() ({
      %run_scoped3A = tpu.sem_alloc : memref<!tpu.dma_semaphore, #tpu.memory_space<semaphore_mem>>
      %dma_start3A_95 = arith.constant 0 : i32
      %dma_start3A_96 = tpu.memref_slice %arg4[%mul3A_58, %dma_start3A_95] : memref<32768x128xf32, #tpu.memory_space<hbm>> -> memref<128x128xf32, #tpu.memory_space<hbm>>
      %dma_start3A_97 = arith.constant 0 : i32
      %dma_start3A_98 = tpu.memref_slice %arg4[%mul3A_58, %dma_start3A_97] : memref<32768x128xf32, #tpu.memory_space<hbm>> -> memref<128x128xf32, #tpu.memory_space<hbm>>
      tpu.enqueue_dma source(%arg6 : memref<128x128xf32, #tpu.memory_space<vmem>>) target(%dma_start3A_98 : memref<128x128xf32, #tpu.memory_space<hbm>>) target_semaphore(%run_scoped3A : memref<!tpu.dma_semaphore, #tpu.memory_space<semaphore_mem>>)
      %dma_wait3A_99 = arith.constant 0 : i32
      %dma_wait3A_100 = tpu.memref_slice %arg4[%mul3A_58, %dma_wait3A_99] : memref<32768x128xf32, #tpu.memory_space<hbm>> -> memref<128x128xf32, #tpu.memory_space<hbm>>
      %dma_wait3A_101 = arith.constant 0 : i32
      %dma_wait3A_102 = tpu.memref_slice %arg4[%mul3A_58, %dma_wait3A_101] : memref<32768x128xf32, #tpu.memory_space<hbm>> -> memref<128x128xf32, #tpu.memory_space<hbm>>
      tpu.wait_dma2 semaphore(%run_scoped3A : memref<!tpu.dma_semaphore, #tpu.memory_space<semaphore_mem>>) src(%arg6 : memref<128x128xf32, #tpu.memory_space<vmem>>) dst(%dma_wait3A_102 : memref<128x128xf32, #tpu.memory_space<hbm>>)
      tpu.yield
    }) : () -> ()
    %mul3A_59 = arith.constant 8 : i32
    %mul3A_60 = arith.muli %add3A, %mul3A_59 : i32
    %add3A_61 = arith.constant 5 : i32
    %add3A_62 = arith.addi %mul3A_60, %add3A_61 : i32
    "tpu.region"() ({
      %run_scoped3A = tpu.sem_alloc : memref<!tpu.dma_semaphore, #tpu.memory_space<semaphore_mem>>
      %dma_start3A_95 = arith.constant 0 : i32
      %dma_start3A_96 = tpu.memref_slice %arg3[%add3A_62, %dma_start3A_95] : memref<256x128xi32, #tpu.memory_space<hbm>> -> memref<1x128xi32, #tpu.memory_space<hbm>>
      %dma_start3A_97 = tpu.memref_squeeze %dma_start3A_96 : memref<1x128xi32, #tpu.memory_space<hbm>> -> memref<128xi32, #tpu.memory_space<hbm>>
      %dma_start3A_98 = arith.constant 0 : i32
      %dma_start3A_99 = tpu.memref_slice %arg3[%add3A_62, %dma_start3A_98] : memref<256x128xi32, #tpu.memory_space<hbm>> -> memref<1x128xi32, #tpu.memory_space<hbm>>
      %dma_start3A_100 = tpu.memref_squeeze %dma_start3A_99 : memref<1x128xi32, #tpu.memory_space<hbm>> -> memref<128xi32, #tpu.memory_space<hbm>>
      tpu.enqueue_dma source(%dma_start3A_100 : memref<128xi32, #tpu.memory_space<hbm>>) target(%arg5 : memref<128xi32, #tpu.memory_space<vmem>>) target_semaphore(%run_scoped3A : memref<!tpu.dma_semaphore, #tpu.memory_space<semaphore_mem>>)
      %dma_wait3A_101 = arith.constant 0 : i32
      %dma_wait3A_102 = tpu.memref_slice %arg3[%add3A_62, %dma_wait3A_101] : memref<256x128xi32, #tpu.memory_space<hbm>> -> memref<1x128xi32, #tpu.memory_space<hbm>>
      %dma_wait3A_103 = tpu.memref_squeeze %dma_wait3A_102 : memref<1x128xi32, #tpu.memory_space<hbm>> -> memref<128xi32, #tpu.memory_space<hbm>>
      %dma_wait3A_104 = arith.constant 0 : i32
      %dma_wait3A_105 = tpu.memref_slice %arg3[%add3A_62, %dma_wait3A_104] : memref<256x128xi32, #tpu.memory_space<hbm>> -> memref<1x128xi32, #tpu.memory_space<hbm>>
      %dma_wait3A_106 = tpu.memref_squeeze %dma_wait3A_105 : memref<1x128xi32, #tpu.memory_space<hbm>> -> memref<128xi32, #tpu.memory_space<hbm>>
      tpu.wait_dma2 semaphore(%run_scoped3A : memref<!tpu.dma_semaphore, #tpu.memory_space<semaphore_mem>>) src(%dma_wait3A_106 : memref<128xi32, #tpu.memory_space<hbm>>) dst(%arg5 : memref<128xi32, #tpu.memory_space<vmem>>)
      tpu.yield
    }) : () -> ()
    %dma_start3A_63 = arith.constant 0 : i32
    %dma_start3A_64 = arith.constant 0 : i32
    %dma_start3A_65 = tpu.memref_slice %arg2[%dma_start3A_63, %dma_start3A_64] : memref<640x128xf32, #tpu.memory_space<hbm>> -> memref<640x128xf32, #tpu.memory_space<hbm>>
    tpu.enqueue_indirect_dma source(%dma_start3A_65 : memref<640x128xf32, #tpu.memory_space<hbm>>) target(%arg6 : memref<128x128xf32, #tpu.memory_space<vmem>>) offsets(%arg5 : memref<128xi32, #tpu.memory_space<vmem>>) semaphore(%arg7 : memref<!tpu.dma_semaphore, #tpu.memory_space<semaphore_mem>>)
    %dma_wait3A_66 = arith.constant 0 : i32
    %dma_wait3A_67 = arith.constant 0 : i32
    %dma_wait3A_68 = tpu.memref_slice %arg2[%dma_wait3A_66, %dma_wait3A_67] : memref<640x128xf32, #tpu.memory_space<hbm>> -> memref<640x128xf32, #tpu.memory_space<hbm>>
    tpu.wait_indirect_dma semaphore(%arg7 : memref<!tpu.dma_semaphore, #tpu.memory_space<semaphore_mem>>) src(%dma_wait3A_68 : memref<640x128xf32, #tpu.memory_space<hbm>>) dst(%arg6 : memref<128x128xf32, #tpu.memory_space<vmem>>)
    %mul3A_69 = arith.constant 128 : i32
    %mul3A_70 = arith.muli %add3A_62, %mul3A_69 : i32
    "tpu.region"() ({
      %run_scoped3A = tpu.sem_alloc : memref<!tpu.dma_semaphore, #tpu.memory_space<semaphore_mem>>
      %dma_start3A_95 = arith.constant 0 : i32
      %dma_start3A_96 = tpu.memref_slice %arg4[%mul3A_70, %dma_start3A_95] : memref<32768x128xf32, #tpu.memory_space<hbm>> -> memref<128x128xf32, #tpu.memory_space<hbm>>
      %dma_start3A_97 = arith.constant 0 : i32
      %dma_start3A_98 = tpu.memref_slice %arg4[%mul3A_70, %dma_start3A_97] : memref<32768x128xf32, #tpu.memory_space<hbm>> -> memref<128x128xf32, #tpu.memory_space<hbm>>
      tpu.enqueue_dma source(%arg6 : memref<128x128xf32, #tpu.memory_space<vmem>>) target(%dma_start3A_98 : memref<128x128xf32, #tpu.memory_space<hbm>>) target_semaphore(%run_scoped3A : memref<!tpu.dma_semaphore, #tpu.memory_space<semaphore_mem>>)
      %dma_wait3A_99 = arith.constant 0 : i32
      %dma_wait3A_100 = tpu.memref_slice %arg4[%mul3A_70, %dma_wait3A_99] : memref<32768x128xf32, #tpu.memory_space<hbm>> -> memref<128x128xf32, #tpu.memory_space<hbm>>
      %dma_wait3A_101 = arith.constant 0 : i32
      %dma_wait3A_102 = tpu.memref_slice %arg4[%mul3A_70, %dma_wait3A_101] : memref<32768x128xf32, #tpu.memory_space<hbm>> -> memref<128x128xf32, #tpu.memory_space<hbm>>
      tpu.wait_dma2 semaphore(%run_scoped3A : memref<!tpu.dma_semaphore, #tpu.memory_space<semaphore_mem>>) src(%arg6 : memref<128x128xf32, #tpu.memory_space<vmem>>) dst(%dma_wait3A_102 : memref<128x128xf32, #tpu.memory_space<hbm>>)
      tpu.yield
    }) : () -> ()
    %mul3A_71 = arith.constant 8 : i32
    %mul3A_72 = arith.muli %add3A, %mul3A_71 : i32
    %add3A_73 = arith.constant 6 : i32
    %add3A_74 = arith.addi %mul3A_72, %add3A_73 : i32
    "tpu.region"() ({
      %run_scoped3A = tpu.sem_alloc : memref<!tpu.dma_semaphore, #tpu.memory_space<semaphore_mem>>
      %dma_start3A_95 = arith.constant 0 : i32
      %dma_start3A_96 = tpu.memref_slice %arg3[%add3A_74, %dma_start3A_95] : memref<256x128xi32, #tpu.memory_space<hbm>> -> memref<1x128xi32, #tpu.memory_space<hbm>>
      %dma_start3A_97 = tpu.memref_squeeze %dma_start3A_96 : memref<1x128xi32, #tpu.memory_space<hbm>> -> memref<128xi32, #tpu.memory_space<hbm>>
      %dma_start3A_98 = arith.constant 0 : i32
      %dma_start3A_99 = tpu.memref_slice %arg3[%add3A_74, %dma_start3A_98] : memref<256x128xi32, #tpu.memory_space<hbm>> -> memref<1x128xi32, #tpu.memory_space<hbm>>
      %dma_start3A_100 = tpu.memref_squeeze %dma_start3A_99 : memref<1x128xi32, #tpu.memory_space<hbm>> -> memref<128xi32, #tpu.memory_space<hbm>>
      tpu.enqueue_dma source(%dma_start3A_100 : memref<128xi32, #tpu.memory_space<hbm>>) target(%arg5 : memref<128xi32, #tpu.memory_space<vmem>>) target_semaphore(%run_scoped3A : memref<!tpu.dma_semaphore, #tpu.memory_space<semaphore_mem>>)
      %dma_wait3A_101 = arith.constant 0 : i32
      %dma_wait3A_102 = tpu.memref_slice %arg3[%add3A_74, %dma_wait3A_101] : memref<256x128xi32, #tpu.memory_space<hbm>> -> memref<1x128xi32, #tpu.memory_space<hbm>>
      %dma_wait3A_103 = tpu.memref_squeeze %dma_wait3A_102 : memref<1x128xi32, #tpu.memory_space<hbm>> -> memref<128xi32, #tpu.memory_space<hbm>>
      %dma_wait3A_104 = arith.constant 0 : i32
      %dma_wait3A_105 = tpu.memref_slice %arg3[%add3A_74, %dma_wait3A_104] : memref<256x128xi32, #tpu.memory_space<hbm>> -> memref<1x128xi32, #tpu.memory_space<hbm>>
      %dma_wait3A_106 = tpu.memref_squeeze %dma_wait3A_105 : memref<1x128xi32, #tpu.memory_space<hbm>> -> memref<128xi32, #tpu.memory_space<hbm>>
      tpu.wait_dma2 semaphore(%run_scoped3A : memref<!tpu.dma_semaphore, #tpu.memory_space<semaphore_mem>>) src(%dma_wait3A_106 : memref<128xi32, #tpu.memory_space<hbm>>) dst(%arg5 : memref<128xi32, #tpu.memory_space<vmem>>)
      tpu.yield
    }) : () -> ()
    %dma_start3A_75 = arith.constant 0 : i32
    %dma_start3A_76 = arith.constant 0 : i32
    %dma_start3A_77 = tpu.memref_slice %arg2[%dma_start3A_75, %dma_start3A_76] : memref<640x128xf32, #tpu.memory_space<hbm>> -> memref<640x128xf32, #tpu.memory_space<hbm>>
    tpu.enqueue_indirect_dma source(%dma_start3A_77 : memref<640x128xf32, #tpu.memory_space<hbm>>) target(%arg6 : memref<128x128xf32, #tpu.memory_space<vmem>>) offsets(%arg5 : memref<128xi32, #tpu.memory_space<vmem>>) semaphore(%arg7 : memref<!tpu.dma_semaphore, #tpu.memory_space<semaphore_mem>>)
    %dma_wait3A_78 = arith.constant 0 : i32
    %dma_wait3A_79 = arith.constant 0 : i32
    %dma_wait3A_80 = tpu.memref_slice %arg2[%dma_wait3A_78, %dma_wait3A_79] : memref<640x128xf32, #tpu.memory_space<hbm>> -> memref<640x128xf32, #tpu.memory_space<hbm>>
    tpu.wait_indirect_dma semaphore(%arg7 : memref<!tpu.dma_semaphore, #tpu.memory_space<semaphore_mem>>) src(%dma_wait3A_80 : memref<640x128xf32, #tpu.memory_space<hbm>>) dst(%arg6 : memref<128x128xf32, #tpu.memory_space<vmem>>)
    %mul3A_81 = arith.constant 128 : i32
    %mul3A_82 = arith.muli %add3A_74, %mul3A_81 : i32
    "tpu.region"() ({
      %run_scoped3A = tpu.sem_alloc : memref<!tpu.dma_semaphore, #tpu.memory_space<semaphore_mem>>
      %dma_start3A_95 = arith.constant 0 : i32
      %dma_start3A_96 = tpu.memref_slice %arg4[%mul3A_82, %dma_start3A_95] : memref<32768x128xf32, #tpu.memory_space<hbm>> -> memref<128x128xf32, #tpu.memory_space<hbm>>
      %dma_start3A_97 = arith.constant 0 : i32
      %dma_start3A_98 = tpu.memref_slice %arg4[%mul3A_82, %dma_start3A_97] : memref<32768x128xf32, #tpu.memory_space<hbm>> -> memref<128x128xf32, #tpu.memory_space<hbm>>
      tpu.enqueue_dma source(%arg6 : memref<128x128xf32, #tpu.memory_space<vmem>>) target(%dma_start3A_98 : memref<128x128xf32, #tpu.memory_space<hbm>>) target_semaphore(%run_scoped3A : memref<!tpu.dma_semaphore, #tpu.memory_space<semaphore_mem>>)
      %dma_wait3A_99 = arith.constant 0 : i32
      %dma_wait3A_100 = tpu.memref_slice %arg4[%mul3A_82, %dma_wait3A_99] : memref<32768x128xf32, #tpu.memory_space<hbm>> -> memref<128x128xf32, #tpu.memory_space<hbm>>
      %dma_wait3A_101 = arith.constant 0 : i32
      %dma_wait3A_102 = tpu.memref_slice %arg4[%mul3A_82, %dma_wait3A_101] : memref<32768x128xf32, #tpu.memory_space<hbm>> -> memref<128x128xf32, #tpu.memory_space<hbm>>
      tpu.wait_dma2 semaphore(%run_scoped3A : memref<!tpu.dma_semaphore, #tpu.memory_space<semaphore_mem>>) src(%arg6 : memref<128x128xf32, #tpu.memory_space<vmem>>) dst(%dma_wait3A_102 : memref<128x128xf32, #tpu.memory_space<hbm>>)
      tpu.yield
    }) : () -> ()
    %mul3A_83 = arith.constant 8 : i32
    %mul3A_84 = arith.muli %add3A, %mul3A_83 : i32
    %add3A_85 = arith.constant 7 : i32
    %add3A_86 = arith.addi %mul3A_84, %add3A_85 : i32
    "tpu.region"() ({
      %run_scoped3A = tpu.sem_alloc : memref<!tpu.dma_semaphore, #tpu.memory_space<semaphore_mem>>
      %dma_start3A_95 = arith.constant 0 : i32
      %dma_start3A_96 = tpu.memref_slice %arg3[%add3A_86, %dma_start3A_95] : memref<256x128xi32, #tpu.memory_space<hbm>> -> memref<1x128xi32, #tpu.memory_space<hbm>>
      %dma_start3A_97 = tpu.memref_squeeze %dma_start3A_96 : memref<1x128xi32, #tpu.memory_space<hbm>> -> memref<128xi32, #tpu.memory_space<hbm>>
      %dma_start3A_98 = arith.constant 0 : i32
      %dma_start3A_99 = tpu.memref_slice %arg3[%add3A_86, %dma_start3A_98] : memref<256x128xi32, #tpu.memory_space<hbm>> -> memref<1x128xi32, #tpu.memory_space<hbm>>
      %dma_start3A_100 = tpu.memref_squeeze %dma_start3A_99 : memref<1x128xi32, #tpu.memory_space<hbm>> -> memref<128xi32, #tpu.memory_space<hbm>>
      tpu.enqueue_dma source(%dma_start3A_100 : memref<128xi32, #tpu.memory_space<hbm>>) target(%arg5 : memref<128xi32, #tpu.memory_space<vmem>>) target_semaphore(%run_scoped3A : memref<!tpu.dma_semaphore, #tpu.memory_space<semaphore_mem>>)
      %dma_wait3A_101 = arith.constant 0 : i32
      %dma_wait3A_102 = tpu.memref_slice %arg3[%add3A_86, %dma_wait3A_101] : memref<256x128xi32, #tpu.memory_space<hbm>> -> memref<1x128xi32, #tpu.memory_space<hbm>>
      %dma_wait3A_103 = tpu.memref_squeeze %dma_wait3A_102 : memref<1x128xi32, #tpu.memory_space<hbm>> -> memref<128xi32, #tpu.memory_space<hbm>>
      %dma_wait3A_104 = arith.constant 0 : i32
      %dma_wait3A_105 = tpu.memref_slice %arg3[%add3A_86, %dma_wait3A_104] : memref<256x128xi32, #tpu.memory_space<hbm>> -> memref<1x128xi32, #tpu.memory_space<hbm>>
      %dma_wait3A_106 = tpu.memref_squeeze %dma_wait3A_105 : memref<1x128xi32, #tpu.memory_space<hbm>> -> memref<128xi32, #tpu.memory_space<hbm>>
      tpu.wait_dma2 semaphore(%run_scoped3A : memref<!tpu.dma_semaphore, #tpu.memory_space<semaphore_mem>>) src(%dma_wait3A_106 : memref<128xi32, #tpu.memory_space<hbm>>) dst(%arg5 : memref<128xi32, #tpu.memory_space<vmem>>)
      tpu.yield
    }) : () -> ()
    %dma_start3A_87 = arith.constant 0 : i32
    %dma_start3A_88 = arith.constant 0 : i32
    %dma_start3A_89 = tpu.memref_slice %arg2[%dma_start3A_87, %dma_start3A_88] : memref<640x128xf32, #tpu.memory_space<hbm>> -> memref<640x128xf32, #tpu.memory_space<hbm>>
    tpu.enqueue_indirect_dma source(%dma_start3A_89 : memref<640x128xf32, #tpu.memory_space<hbm>>) target(%arg6 : memref<128x128xf32, #tpu.memory_space<vmem>>) offsets(%arg5 : memref<128xi32, #tpu.memory_space<vmem>>) semaphore(%arg7 : memref<!tpu.dma_semaphore, #tpu.memory_space<semaphore_mem>>)
    %dma_wait3A_90 = arith.constant 0 : i32
    %dma_wait3A_91 = arith.constant 0 : i32
    %dma_wait3A_92 = tpu.memref_slice %arg2[%dma_wait3A_90, %dma_wait3A_91] : memref<640x128xf32, #tpu.memory_space<hbm>> -> memref<640x128xf32, #tpu.memory_space<hbm>>
    tpu.wait_indirect_dma semaphore(%arg7 : memref<!tpu.dma_semaphore, #tpu.memory_space<semaphore_mem>>) src(%dma_wait3A_92 : memref<640x128xf32, #tpu.memory_space<hbm>>) dst(%arg6 : memref<128x128xf32, #tpu.memory_space<vmem>>)
    %mul3A_93 = arith.constant 128 : i32
    %mul3A_94 = arith.muli %add3A_86, %mul3A_93 : i32
    "tpu.region"() ({
      %run_scoped3A = tpu.sem_alloc : memref<!tpu.dma_semaphore, #tpu.memory_space<semaphore_mem>>
      %dma_start3A_95 = arith.constant 0 : i32
      %dma_start3A_96 = tpu.memref_slice %arg4[%mul3A_94, %dma_start3A_95] : memref<32768x128xf32, #tpu.memory_space<hbm>> -> memref<128x128xf32, #tpu.memory_space<hbm>>
      %dma_start3A_97 = arith.constant 0 : i32
      %dma_start3A_98 = tpu.memref_slice %arg4[%mul3A_94, %dma_start3A_97] : memref<32768x128xf32, #tpu.memory_space<hbm>> -> memref<128x128xf32, #tpu.memory_space<hbm>>
      tpu.enqueue_dma source(%arg6 : memref<128x128xf32, #tpu.memory_space<vmem>>) target(%dma_start3A_98 : memref<128x128xf32, #tpu.memory_space<hbm>>) target_semaphore(%run_scoped3A : memref<!tpu.dma_semaphore, #tpu.memory_space<semaphore_mem>>)
      %dma_wait3A_99 = arith.constant 0 : i32
      %dma_wait3A_100 = tpu.memref_slice %arg4[%mul3A_94, %dma_wait3A_99] : memref<32768x128xf32, #tpu.memory_space<hbm>> -> memref<128x128xf32, #tpu.memory_space<hbm>>
      %dma_wait3A_101 = arith.constant 0 : i32
      %dma_wait3A_102 = tpu.memref_slice %arg4[%mul3A_94, %dma_wait3A_101] : memref<32768x128xf32, #tpu.memory_space<hbm>> -> memref<128x128xf32, #tpu.memory_space<hbm>>
      tpu.wait_dma2 semaphore(%run_scoped3A : memref<!tpu.dma_semaphore, #tpu.memory_space<semaphore_mem>>) src(%arg6 : memref<128x128xf32, #tpu.memory_space<vmem>>) dst(%dma_wait3A_102 : memref<128x128xf32, #tpu.memory_space<hbm>>)
      tpu.yield
    }) : () -> ()
    return
  }
}

module attributes {stable_mosaic.version = 14 : i64} {
  func.func @_tc_body(%arg0: i32, %arg1: memref<1024x512xf32, #tpu.memory_space<vmem>>, %arg2: memref<512x640xf32, #tpu.memory_space<vmem>>, %arg3: memref<8x640xf32, #tpu.memory_space<vmem>>, %arg4: memref<1024x640xf32, #tpu.memory_space<vmem>>, %arg5: memref<640x8xf32, #tpu.memory_space<vmem>>, %arg6: memref<1024x8xi32, #tpu.memory_space<vmem>>, %arg7: memref<1x1xf32, #tpu.memory_space<smem>>, %arg8: memref<8x640xf32, #tpu.memory_space<vmem>>) attributes {dimension_semantics = [#tpu.dimension_semantics<arbitrary>], iteration_bounds = array<i64: 16>, scalar_prefetch = 0 : i64, scratch_operands = 1 : i64, tpu.core_type = #tpu.core_type<tc>, window_params = [{transform_indices = @transform_0, window_bounds = array<i64: 1024, 512>}, {pipeline_mode = #tpu.pipeline_mode<synchronous>, transform_indices = @transform_1, window_bounds = array<i64: 512, 640>}, {pipeline_mode = #tpu.pipeline_mode<synchronous>, transform_indices = @transform_2, window_bounds = array<i64: 8, 640>}, {transform_indices = @transform_3, window_bounds = array<i64: 1024, 640>}, {pipeline_mode = #tpu.pipeline_mode<synchronous>, transform_indices = @transform_4, window_bounds = array<i64: 640, 8>}, {transform_indices = @transform_5, window_bounds = array<i64: 1024, 8>}, {transform_indices = @transform_6, window_bounds = array<i64: 1, 1>}]} {
    %get3A = arith.constant 0 : index
    %get3A_0 = arith.constant 0 : index
    %get3A_1 = vector.load %arg1[%get3A, %get3A_0] : memref<1024x512xf32, #tpu.memory_space<vmem>>, vector<1024x512xf32>
    %get3A_2 = arith.constant 0 : index
    %get3A_3 = arith.constant 0 : index
    %get3A_4 = vector.load %arg2[%get3A_2, %get3A_3] : memref<512x640xf32, #tpu.memory_space<vmem>>, vector<512x640xf32>
    %dot_general3A = arith.constant dense<0.000000e+00> : vector<1024x640xf32>
    %dot_general3A_5 = tpu.matmul %get3A_1, %get3A_4, %dot_general3A {dimension_numbers = #tpu.dot_dimension_numbers<[1], [0], [0], [1], [0, 0, 1, 1], [], []>, transpose_lhs_hint = false} : vector<1024x512xf32>, vector<512x640xf32>, vector<1024x640xf32> -> vector<1024x640xf32>
    %get3A_6 = arith.constant 0 : index
    %get3A_7 = arith.constant 0 : index
    %get3A_8 = vector.load %arg3[%get3A_6, %get3A_7] : memref<8x640xf32, #tpu.memory_space<vmem>>, vector<1x640xf32>
    %add3A = vector.broadcast %get3A_8 : vector<1x640xf32> to vector<1024x640xf32>
    %add3A_9 = arith.addf %dot_general3A_5, %add3A : vector<1024x640xf32>
    %iota3A = tpu.iota {dimensions = array<i32: 1>} : vector<1024x640xi32>
    %lt3A = arith.constant 320 : i32
    %lt3A_10 = vector.broadcast %lt3A : i32 to vector<1024x640xi32>
    %lt3A_11 = arith.cmpi slt, %iota3A, %lt3A_10 : vector<1024x640xi32>
    %get3A_12 = arith.constant 0 : index
    %get3A_13 = arith.constant 0 : index
    %get3A_14 = vector.load %arg4[%get3A_12, %get3A_13] : memref<1024x640xf32, #tpu.memory_space<vmem>>, vector<1024x640xf32>
    %add3A_15 = arith.addf %add3A_9, %get3A_14 : vector<1024x640xf32>
    %jit3A = arith.constant 0xFF800000 : f32
    %broadcast_in_dim3A = vector.broadcast %jit3A : f32 to vector<1024x640xf32>
    %select_n3A = arith.select %lt3A_11, %add3A_15, %broadcast_in_dim3A : vector<1024x640xi1>, vector<1024x640xf32>
    %reduce_max3A = arith.constant dense<0xFF800000> : vector<1024xf32>
    %reduce_max3A_16 = vector.multi_reduction <maximumf>, %select_n3A, %reduce_max3A [1] : vector<1024x640xf32> to vector<1024xf32>
    %broadcast_in_dim3A_17 = vector.shape_cast %reduce_max3A_16 : vector<1024xf32> to vector<1024x1xf32>
    %jit3A_18 = arith.constant 0xFF800000 : f32
    %broadcast_in_dim3A_19 = vector.broadcast %jit3A_18 : f32 to vector<1024x640xf32>
    %select_n3A_20 = arith.select %lt3A_11, %broadcast_in_dim3A_19, %add3A_15 : vector<1024x640xi1>, vector<1024x640xf32>
    %reduce_max3A_21 = arith.constant dense<0xFF800000> : vector<1024xf32>
    %reduce_max3A_22 = vector.multi_reduction <maximumf>, %select_n3A_20, %reduce_max3A_21 [1] : vector<1024x640xf32> to vector<1024xf32>
    %broadcast_in_dim3A_23 = vector.shape_cast %reduce_max3A_22 : vector<1024xf32> to vector<1024x1xf32>
    %broadcast_in_dim3A_24 = vector.shape_cast %broadcast_in_dim3A_17 : vector<1024x1xf32> to vector<1024x1xf32>
    %broadcast_in_dim3A_25 = vector.broadcast %broadcast_in_dim3A_24 : vector<1024x1xf32> to vector<1024x640xf32>
    %broadcast_in_dim3A_26 = vector.shape_cast %broadcast_in_dim3A_23 : vector<1024x1xf32> to vector<1024x1xf32>
    %broadcast_in_dim3A_27 = vector.broadcast %broadcast_in_dim3A_26 : vector<1024x1xf32> to vector<1024x640xf32>
    %select_n3A_28 = arith.select %lt3A_11, %broadcast_in_dim3A_25, %broadcast_in_dim3A_27 : vector<1024x640xi1>, vector<1024x640xf32>
    %eq3A = arith.cmpf oeq, %add3A_15, %select_n3A_28 : vector<1024x640xf32>
    %convert_element_type3A = arith.extui %eq3A : vector<1024x640xi1> to vector<1024x640xi32>
    %convert_element_type3A_29 = arith.sitofp %convert_element_type3A : vector<1024x640xi32> to vector<1024x640xf32>
    %get3A_30 = arith.constant 0 : index
    %get3A_31 = arith.constant 0 : index
    %get3A_32 = vector.load %arg5[%get3A_30, %get3A_31] : memref<640x8xf32, #tpu.memory_space<vmem>>, vector<640x8xf32>
    %dot_general3A_33 = arith.constant dense<0.000000e+00> : vector<1024x8xf32>
    %dot_general3A_34 = tpu.matmul %convert_element_type3A_29, %get3A_32, %dot_general3A_33 {dimension_numbers = #tpu.dot_dimension_numbers<[1], [0], [0], [1], [0, 0, 1, 1], [], []>, transpose_lhs_hint = false} : vector<1024x640xf32>, vector<640x8xf32>, vector<1024x8xf32> -> vector<1024x8xf32>
    %slice3A = vector.extract_strided_slice %dot_general3A_34 {offsets = [0, 0], sizes = [1024, 2], strides = [1, 1]} : vector<1024x8xf32> to vector<1024x2xf32>
    %mul3A = arith.constant 1.600000e+01 : f32
    %mul3A_35 = vector.broadcast %mul3A : f32 to vector<1024x2xf32>
    %mul3A_36 = arith.mulf %slice3A, %mul3A_35 : vector<1024x2xf32>
    %slice3A_37 = vector.extract_strided_slice %dot_general3A_34 {offsets = [0, 2], sizes = [1024, 2], strides = [1, 1]} : vector<1024x8xf32> to vector<1024x2xf32>
    %add3A_38 = arith.addf %mul3A_36, %slice3A_37 : vector<1024x2xf32>
    %convert_element_type3A_39 = arith.fptosi %add3A_38 : vector<1024x2xf32> to vector<1024x2xi32>
    %jit3A_40 = arith.constant 0 : i32
    %jit3A_41 = arith.constant 639 : i32
    %max3A = vector.broadcast %jit3A_40 : i32 to vector<1024x2xi32>
    %max3A_42 = arith.maxsi %max3A, %convert_element_type3A_39 : vector<1024x2xi32>
    %min3A = vector.broadcast %jit3A_41 : i32 to vector<1024x2xi32>
    %min3A_43 = arith.minsi %min3A, %max3A_42 : vector<1024x2xi32>
    %swap3A = arith.constant 0 : index
    %swap3A_44 = arith.constant 0 : index
    %swap3A_45 = vector.load %arg6[%swap3A, %swap3A_44] : memref<1024x8xi32, #tpu.memory_space<vmem>>, vector<1024x2xi32>
    tpu.vector_store %arg6[%swap3A, %swap3A_44], %min3A_43 {strides = array<i32>} : memref<1024x8xi32, #tpu.memory_space<vmem>>, vector<1024x2xi32>,
    %exp3A = math.exp %add3A_9 : vector<1024x640xf32>
    %jit3A_46 = arith.constant 0.000000e+00 : f32
    %broadcast_in_dim3A_47 = vector.broadcast %jit3A_46 : f32 to vector<1024x640xf32>
    %select_n3A_48 = arith.select %lt3A_11, %exp3A, %broadcast_in_dim3A_47 : vector<1024x640xi1>, vector<1024x640xf32>
    %reduce_sum3A = arith.constant dense<0.000000e+00> : vector<1024xf32>
    %reduce_sum3A_49 = vector.multi_reduction <add>, %select_n3A_48, %reduce_sum3A [1] : vector<1024x640xf32> to vector<1024xf32>
    %broadcast_in_dim3A_50 = vector.shape_cast %reduce_sum3A_49 : vector<1024xf32> to vector<1024x1xf32>
    %jit3A_51 = arith.constant 0.000000e+00 : f32
    %broadcast_in_dim3A_52 = vector.broadcast %jit3A_51 : f32 to vector<1024x640xf32>
    %select_n3A_53 = arith.select %lt3A_11, %broadcast_in_dim3A_52, %exp3A : vector<1024x640xi1>, vector<1024x640xf32>
    %reduce_sum3A_54 = arith.constant dense<0.000000e+00> : vector<1024xf32>
    %reduce_sum3A_55 = vector.multi_reduction <add>, %select_n3A_53, %reduce_sum3A_54 [1] : vector<1024x640xf32> to vector<1024xf32>
    %broadcast_in_dim3A_56 = vector.shape_cast %reduce_sum3A_55 : vector<1024xf32> to vector<1024x1xf32>
    %broadcast_in_dim3A_57 = vector.shape_cast %broadcast_in_dim3A_50 : vector<1024x1xf32> to vector<1024x1xf32>
    %broadcast_in_dim3A_58 = vector.broadcast %broadcast_in_dim3A_57 : vector<1024x1xf32> to vector<1024x640xf32>
    %broadcast_in_dim3A_59 = vector.shape_cast %broadcast_in_dim3A_56 : vector<1024x1xf32> to vector<1024x1xf32>
    %broadcast_in_dim3A_60 = vector.broadcast %broadcast_in_dim3A_59 : vector<1024x1xf32> to vector<1024x640xf32>
    %select_n3A_61 = arith.select %lt3A_11, %broadcast_in_dim3A_58, %broadcast_in_dim3A_60 : vector<1024x640xi1>, vector<1024x640xf32>
    %div3A = arith.divf %exp3A, %select_n3A_61 : vector<1024x640xf32>
    %reduce_sum3A_62 = arith.constant dense<0.000000e+00> : vector<640xf32>
    %reduce_sum3A_63 = vector.multi_reduction <add>, %div3A, %reduce_sum3A_62 [0] : vector<1024x640xf32> to vector<640xf32>
    %broadcast_in_dim3A_64 = vector.shape_cast %reduce_sum3A_63 : vector<640xf32> to vector<1x640xf32>
    %broadcast_in_dim3A_65 = vector.shape_cast %broadcast_in_dim3A_64 : vector<1x640xf32> to vector<1x640xf32>
    %broadcast_in_dim3A_66 = vector.broadcast %broadcast_in_dim3A_65 : vector<1x640xf32> to vector<8x640xf32>
    %eq3A_67 = arith.constant 0 : i32
    %eq3A_68 = arith.cmpi eq, %arg0, %eq3A_67 : i32
    %convert_element_type3A_69 = arith.extui %eq3A_68 : i1 to i32
    %cond3A = arith.constant 0 : i32
    %cond3A_70 = arith.cmpi ne, %convert_element_type3A_69, %cond3A : i32
    scf.if %cond3A_70 {
      %swap3A_80 = arith.constant 0 : index
      %swap3A_81 = arith.constant 0 : index
      %swap3A_82 = vector.load %arg8[%swap3A_80, %swap3A_81] : memref<8x640xf32, #tpu.memory_space<vmem>>, vector<8x640xf32>
      tpu.vector_store %arg8[%swap3A_80, %swap3A_81], %broadcast_in_dim3A_66 {strides = array<i32>} : memref<8x640xf32, #tpu.memory_space<vmem>>, vector<8x640xf32>,
    } else {
    }
    %ne3A = arith.constant 0 : i32
    %ne3A_71 = arith.cmpi ne, %arg0, %ne3A : i32
    %convert_element_type3A_72 = arith.extui %ne3A_71 : i1 to i32
    %cond3A_73 = arith.constant 0 : i32
    %cond3A_74 = arith.cmpi ne, %convert_element_type3A_72, %cond3A_73 : i32
    scf.if %cond3A_74 {
      %get3A_80 = arith.constant 0 : index
      %get3A_81 = arith.constant 0 : index
      %get3A_82 = vector.load %arg8[%get3A_80, %get3A_81] : memref<8x640xf32, #tpu.memory_space<vmem>>, vector<8x640xf32>
      %add3A_83 = arith.addf %get3A_82, %broadcast_in_dim3A_66 : vector<8x640xf32>
      %swap3A_84 = arith.constant 0 : index
      %swap3A_85 = arith.constant 0 : index
      %swap3A_86 = vector.load %arg8[%swap3A_84, %swap3A_85] : memref<8x640xf32, #tpu.memory_space<vmem>>, vector<8x640xf32>
      tpu.vector_store %arg8[%swap3A_84, %swap3A_85], %add3A_83 {strides = array<i32>} : memref<8x640xf32, #tpu.memory_space<vmem>>, vector<8x640xf32>,
    } else {
    }
    %eq3A_75 = arith.constant 15 : i32
    %eq3A_76 = arith.cmpi eq, %arg0, %eq3A_75 : i32
    %convert_element_type3A_77 = arith.extui %eq3A_76 : i1 to i32
    %cond3A_78 = arith.constant 0 : i32
    %cond3A_79 = arith.cmpi ne, %convert_element_type3A_77, %cond3A_78 : i32
    scf.if %cond3A_79 {
      %get3A_80 = arith.constant 0 : index
      %get3A_81 = arith.constant 0 : index
      %get3A_82 = vector.load %arg8[%get3A_80, %get3A_81] : memref<8x640xf32, #tpu.memory_space<vmem>>, vector<1x640xf32>
      %mul3A_83 = arith.constant 6.10351563E-5 : f32
      %mul3A_84 = vector.broadcast %mul3A_83 : f32 to vector<1x640xf32>
      %mul3A_85 = arith.mulf %get3A_82, %mul3A_84 : vector<1x640xf32>
      %add3A_86 = arith.constant 1.000000e-07 : f32
      %add3A_87 = vector.broadcast %add3A_86 : f32 to vector<1x640xf32>
      %add3A_88 = arith.addf %mul3A_85, %add3A_87 : vector<1x640xf32>
      %log3A = math.log %add3A_88 : vector<1x640xf32>
      %mul3A_89 = arith.mulf %mul3A_85, %log3A : vector<1x640xf32>
      %slice3A_90 = vector.extract_strided_slice %lt3A_11 {offsets = [0, 0], sizes = [1, 640], strides = [1, 1]} : vector<1024x640xi1> to vector<1x640xi1>
      %jit3A_91 = arith.constant 0.000000e+00 : f32
      %broadcast_in_dim3A_92 = vector.broadcast %jit3A_91 : f32 to vector<1x640xf32>
      %select_n3A_93 = arith.select %slice3A_90, %mul3A_89, %broadcast_in_dim3A_92 : vector<1x640xi1>, vector<1x640xf32>
      %reduce_sum3A_94 = vector.shape_cast %select_n3A_93 : vector<1x640xf32> to vector<1x1x640xf32>
      %reduce_sum3A_95 = arith.constant dense<0.000000e+00> : vector<1xf32>
      %reduce_sum3A_96 = vector.multi_reduction <add>, %reduce_sum3A_94, %reduce_sum3A_95 [1, 2] : vector<1x1x640xf32> to vector<1xf32>
      %reduce_sum3A_97 = vector.shape_cast %reduce_sum3A_96 : vector<1xf32> to vector<1x1x1xf32>
      %reduce_sum3A_98 = vector.extract %reduce_sum3A_97[0, 0, 0] : f32 from vector<1x1x1xf32>
      %slice3A_99 = vector.extract_strided_slice %lt3A_11 {offsets = [0, 0], sizes = [1, 640], strides = [1, 1]} : vector<1024x640xi1> to vector<1x640xi1>
      %jit3A_100 = arith.constant 0.000000e+00 : f32
      %broadcast_in_dim3A_101 = vector.broadcast %jit3A_100 : f32 to vector<1x640xf32>
      %select_n3A_102 = arith.select %slice3A_99, %broadcast_in_dim3A_101, %mul3A_89 : vector<1x640xi1>, vector<1x640xf32>
      %reduce_sum3A_103 = vector.shape_cast %select_n3A_102 : vector<1x640xf32> to vector<1x1x640xf32>
      %reduce_sum3A_104 = arith.constant dense<0.000000e+00> : vector<1xf32>
      %reduce_sum3A_105 = vector.multi_reduction <add>, %reduce_sum3A_103, %reduce_sum3A_104 [1, 2] : vector<1x1x640xf32> to vector<1xf32>
      %reduce_sum3A_106 = vector.shape_cast %reduce_sum3A_105 : vector<1xf32> to vector<1x1x1xf32>
      %reduce_sum3A_107 = vector.extract %reduce_sum3A_106[0, 0, 0] : f32 from vector<1x1x1xf32>
      %neg3A = arith.constant 0.000000e+00 : f32
      %neg3A_108 = arith.subf %neg3A, %reduce_sum3A_98 : f32
      %exp3A_109 = math.exp %neg3A_108 : f32
      %neg3A_110 = arith.constant 0.000000e+00 : f32
      %neg3A_111 = arith.subf %neg3A_110, %reduce_sum3A_107 : f32
      %exp3A_112 = math.exp %neg3A_111 : f32
      %add3A_113 = arith.addf %exp3A_109, %exp3A_112 : f32
      %swap3A_114 = arith.constant 0 : index
      %swap3A_115 = arith.constant 0 : index
      %swap3A_116 = memref.load %arg7[%swap3A_114, %swap3A_115] : memref<1x1xf32, #tpu.memory_space<smem>>
      memref.store %add3A_113, %arg7[%swap3A_114, %swap3A_115] : memref<1x1xf32, #tpu.memory_space<smem>>
    } else {
    }
    return
  }
  func.func @transform_0(%arg0: i32) -> (i32, i32) {
    %c0_i32 = arith.constant 0 : i32
    %c0_i32_0 = arith.constant 0 : i32
    return %arg0, %c0_i32 : i32, i32
  }
  func.func @transform_1(%arg0: i32) -> (i32, i32) {
    %c0_i32 = arith.constant 0 : i32
    %c0_i32_0 = arith.constant 0 : i32
    %c0_i32_1 = arith.constant 0 : i32
    return %c0_i32, %c0_i32_0 : i32, i32
  }
  func.func @transform_2(%arg0: i32) -> (i32, i32) {
    %c0_i32 = arith.constant 0 : i32
    %c0_i32_0 = arith.constant 0 : i32
    %c0_i32_1 = arith.constant 0 : i32
    return %c0_i32, %c0_i32_0 : i32, i32
  }
  func.func @transform_3(%arg0: i32) -> (i32, i32) {
    %c0_i32 = arith.constant 0 : i32
    %c0_i32_0 = arith.constant 0 : i32
    return %arg0, %c0_i32 : i32, i32
  }
  func.func @transform_4(%arg0: i32) -> (i32, i32) {
    %c0_i32 = arith.constant 0 : i32
    %c0_i32_0 = arith.constant 0 : i32
    %c0_i32_1 = arith.constant 0 : i32
    return %c0_i32, %c0_i32_0 : i32, i32
  }
  func.func @transform_5(%arg0: i32) -> (i32, i32) {
    %c0_i32 = arith.constant 0 : i32
    %c0_i32_0 = arith.constant 0 : i32
    return %arg0, %c0_i32 : i32, i32
  }
  func.func @transform_6(%arg0: i32) -> (i32, i32) {
    %c0_i32 = arith.constant 0 : i32
    %c0_i32_0 = arith.constant 0 : i32
    %c0_i32_1 = arith.constant 0 : i32
    return %c0_i32, %c0_i32_0 : i32, i32
  }
}

</mosaic_0001>

<sc_bundles>
// kernel: kernel.4.cloned.1.call-start
scs
__scs_entry_jumppad:
0x0: {  	(pc) =	sbr.rel $0x88, $3  }
0x1: {  	(tag) =	ssettag $0x0;
	lr =	simm.s32 $0x1  }
0x2: {  	[smem:$0x3F9D] =	sst lr;
	_ =	strace $0xD0000000  }
0x3: {  	_ = 	snop  }
0x4: {  	_ = 	snop  }
0x5: {  	_ = 	snop  }
0x6: {  	_ = 	snop  }
0x7: {  	_ = 	snop  }
__scs_overlays_trampoline_lowered:
0x8: {  	[smem:$0x3FAC] =	sst s0  }
0x9: {  	[smem:$0x3FAD] =	sst s1  }
0xa: {  	[smem:$0x3FAE] =	sst s2  }
0xb: {  	[smem:$0x3FAF] =	sst s3  }
0xc: {  	[smem:$0x3FB0] =	sst s4  }
0xd: {  	[smem:$0x3FB1] =	sst s5  }
0xe: {  	[smem:$0x3FB2] =	sst s6  }
0xf: {  	[smem:$0x3FB3] =	sst s7  }
0x10: {  	[smem:$0x3FB4] =	sst s8  }
0x11: {  	[smem:$0x3FB5] =	sst s9;
	s0 =	simm.s32 @!p0 $0x0  }
0x12: {  	s1 =	sld [smem:$0x3F9B];
	s0 =	simm.s32 @p0 $0x1  }
0x13: {  	[smem:$0x3FB6] =	sst s0;
	s0 =	simm.s32 @!p1 $0x0  }
0x14: {  	s2 =	sld [smem:$0x3F9A];
	s0 =	simm.s32 @p1 $0x1  }
0x15: {  	[smem:$0x3FB7] =	sst s0;
	s0 =	simm.s32 @!p2 $0x0  }
0x16: {  	s3 =	sld [smem:$0x3FDB];
	s0 =	simm.s32 @p2 $0x1  }
0x17: {  	s4 =	simm.s32 $0x1BF5;
	[smem:$0x3FB9] =	sst s0  }
0x18: {  	s0 =	sld [smem:$0x3F9C];
	_ =	swait.ge [sflag:s4], $0x0  }
0x19: {  	s7 =	sld [smem:$0x3F9D]  }
0x1a: {  	s8 =	sadd.s32 $0xFFFFE003, lr  }
0x1b: {  	s9 =	sadd.s32 $0xFFFFFEF7, lr;
	s5 =	simm.s32 $0xFFFFFFFF;
	p2 =	slt.u32 s8, $0xFFFFF086  }
0x1c: {  	p1 =	slt.u32 s9, $0xF7A;
	s5 =	simm.s32 @!p2 $0x0  }
0x1d: {  	s5 =	simm.s32 @p1 $0x1;
	p0 =	seq.s32 s7, s2  }
0x1e: {  	s7 =	smul.u32 @!p0 $0xF7A, s2;
	p2 =	seq.s32 @!p0 s5, $0x0  }
0x1f: {  	s9 =	smul.u32 $0xF7A, s1;
	s8 =	simm.s32 @!p0 $0x1BF5;
	p2 =	por !p2, p0  }
0x20: {  	[sflag:s8] =	ssyncset.s32 @!p0 $0xFFFFF086;
	s6 =	sadd.s32 @!p0 s3, s7;
	s7 =	simm.s32 @!p0 $0x108  }
0x21: {  	s3 =	sadd.s32 s3, s9;
	s6 =	sadd.s32 @!p0 $0x88, s6;
	s7 =	simm.s32 @p2 $0x1082  }
0x22: {  	[simem:s7], [sflag:s8] =	dma.local @!p0 [hbm:s6], $0xF7A  }
0x23: {  	s9 =	sor.u32 $0xD0000000, s2;
	s6 =	simm.s32 $0x108;
	_ =	swait.ge @!p0 [sflag:s8], $0x0  }
0x24: {  	s3 =	sadd.s32 $0x88, s3;
	s6 =	simm.s32 @!p1 $0x1082;
	[sflag:s4] =	ssyncset.s32 $0xFFFFF086  }
0x25: {  	[simem:s6], [sflag:s4] =	dma.local [hbm:s3], $0xF7A  }
0x26: {  	[smem:$0x3F9D] =	sst s1;
	(tag) =	ssettag s2;
	_ =	strace s9  }
0x27: {  	s1 =	sld [smem:$0x3FAD]  }
0x28: {  	s2 =	sld [smem:$0x3FAE]  }
0x29: {  	s4 =	sld [smem:$0x3FB0]  }
0x2a: {  	p0 =	seq.s32 s5, $0x0;
	s5 =	sld [smem:$0x3FB1]  }
0x2b: {  	s6 =	sld [smem:$0x3FB2]  }
0x2c: {  	s7 =	sld [smem:$0x3FB3]  }
0x2d: {  	s3 =	simm.s32 $0x108;
	s8 =	sld [smem:$0x3FB4]  }
0x2e: {  	s3 =	simm.s32 @!p0 $0x1082;
	s9 =	sld [smem:$0x3FB5]  }
0x2f: {  	lr =	sadd.s32 s0, s3;
	s0 =	sld [smem:$0x3FAC]  }
0x30: {  	s3 =	sld [smem:$0x3FAF]  }
0x31: {  	[smem:$0x3FB8] =	sst s10  }
0x32: {  	s10 =	sld [smem:$0x3FB6];
	_ =	sdelay $0x3  }
0x33: {  	p0 =	seq.s32 s10, $0x1;
	s10 =	sld [smem:$0x3FB8];
	_ =	sdelay $0x3  }
0x34: {  	[smem:$0x3FB8] =	sst s10  }
0x35: {  	s10 =	sld [smem:$0x3FB7];
	_ =	sdelay $0x3  }
0x36: {  	p1 =	seq.s32 s10, $0x1;
	s10 =	sld [smem:$0x3FB8];
	_ =	sdelay $0x3  }
0x37: {  	[smem:$0x3FB8] =	sst s10  }
0x38: {  	s10 =	sld [smem:$0x3FB9]  }
0x39: {  	_ = 	snop;
	(pc) =	sbr.ind lr, $3  }
0x3a: {  	_ = 	snop  }
0x3b: {  	_ = 	snop  }
0x3c: {  	p2 =	seq.s32 s10, $0x1;
	s10 =	sld [smem:$0x3FB8]  }
0x3d: {  	_ =	shalt  }
0x3e: {  	_ =	shalt  }
0x3f: {  	_ =	shalt  }
0x40: {  	_ =	shalt  }
0x41: {  	_ =	shalt  }
0x42: {  	_ =	shalt  }
0x43: {  	_ =	shalt  }
0x44: {  	_ =	shalt  }
0x45: {  	_ =	shalt  }
0x46: {  	_ =	shalt  }
0x47: {  	_ =	shalt  }
0x48: {  	_ =	shalt  }
0x49: {  	_ =	shalt  }
0x4a: {  	_ =	shalt  }
0x4b: {  	_ =	shalt  }
0x4c: {  	_ =	shalt  }
0x4d: {  	_ =	shalt  }
0x4e: {  	_ =	shalt  }
0x4f: {  	_ =	shalt  }
0x50: {  	_ =	shalt  }
0x51: {  	_ =	shalt  }
0x52: {  	_ =	shalt  }
0x53: {  	_ =	shalt  }
0x54: {  	_ =	shalt  }
0x55: {  	_ =	shalt  }
0x56: {  	_ =	shalt  }
0x57: {  	_ =	shalt  }
0x58: {  	_ =	shalt  }
0x59: {  	_ =	shalt  }
0x5a: {  	_ =	shalt  }
0x5b: {  	_ =	shalt  }
0x5c: {  	_ =	shalt  }
0x5d: {  	_ =	shalt  }
0x5e: {  	_ =	shalt  }
0x5f: {  	_ =	shalt  }
0x60: {  	_ =	shalt  }
0x61: {  	_ =	shalt  }
0x62: {  	_ =	shalt  }
0x63: {  	_ =	shalt  }
0x64: {  	_ =	shalt  }
0x65: {  	_ =	shalt  }
0x66: {  	_ =	shalt  }
0x67: {  	_ =	shalt  }
0x68: {  	_ =	shalt  }
0x69: {  	_ =	shalt  }
0x6a: {  	_ =	shalt  }
0x6b: {  	_ =	shalt  }
0x6c: {  	_ =	shalt  }
0x6d: {  	_ =	shalt  }
0x6e: {  	_ =	shalt  }
0x6f: {  	_ =	shalt  }
0x70: {  	_ =	shalt  }
0x71: {  	_ =	shalt  }
0x72: {  	_ =	shalt  }
0x73: {  	_ =	shalt  }
0x74: {  	_ =	shalt  }
0x75: {  	_ =	shalt  }
0x76: {  	_ =	shalt  }
0x77: {  	_ =	shalt  }
0x78: {  	_ =	shalt  }
0x79: {  	_ =	shalt  }
0x7a: {  	_ =	shalt  }
0x7b: {  	_ =	shalt  }
0x7c: {  	_ =	shalt  }
0x7d: {  	_ =	shalt  }
0x7e: {  	_ =	shalt  }
0x7f: {  	_ =	shalt  }
0x80: {  	_ =	shalt  }
0x81: {  	_ =	shalt  }
0x82: {  	_ =	shalt  }
0x83: {  	_ =	shalt  }
0x84: {  	_ =	shalt  }
0x85: {  	_ =	shalt  }
0x86: {  	_ =	shalt  }
0x87: {  	_ =	shalt  }
.Lfunc_end0:
.L_simem_size_0:
called_computation.2_lowered:
.L_overlay_start_0:
0x88: {  	s2 =	sld [smem:$0x3FD9]  }
0x89: {  	s3 =	sld [smem:$0x3FFE];
	_ =	sdelay $0x1  }
0x8a: {  	s1 =	srdreg.scid  }
0x8b: {  	s0 =	sand.u32 $0x1, s1  }
0x8c: {  	s14 =	sshll.u32 s0, $0xA;
	s2 =	sadd.s32 s3, s2  }
0x8d: {  	s2 =	sadd.s32 s2, s14  }
0x8e: {  	[smem:$0x3FC4] =	sst s2  }
0x8f: {  	_ = 	snop  }
0x90: {  	s2 =	sld [smem:$0x3FD0];
	_ =	sdelay $0x2  }
0x91: {  	s4 =	simm.s32 $0xB;
	s5 =	simm.s32 $0x10;
	s15 =	sld [smem:$0x3FC6]  }
0x92: {  	[smem:s5], [sflag:s4] =	dma.local [hbm:s2], $0x1  }
0x93: {  	_ =	swait.eq [sflag:s4], $0x1  }
0x94: {  	[sflag:s4] =	ssyncset.done $0x0  }
0x95: {  	[sflag:s4] =	ssyncadd.s32 $0xFFFFFFFF  }
0x96: {  	s16 =	sld [smem:$0x10];
	(tm) =	ssettm $0x1  }
0x97: {  	s17 =	sld [smem:$0x3FFB];
	_ =	sdelay $0x3  }
0x98: {  	_ =	strace s17  }
0x99: {  	s4 =	sld [smem:$0x3FFC];
	_ =	sdelay $0x3  }
0x9a: {  	_ =	strace s4  }
0x9b: {  	s4 =	sld [smem:$0x3FFD];
	_ =	sdelay $0x3  }
0x9c: {  	_ =	strace s4  }
0x9d: {  	_ =	strace $0x8FFFFFFF  }
0x9e: {  	s18 =	sld [smem:$0x3FDB];
	_ =	sdelay $0x1  }
0x9f: {  	s19 =	simm.s32 $_scs_section_size  }
0xa0: {  	s6 =	simm.s32 $_size__tile_overlayer_lowered;
	s7 =	simm.s32 $_tile_overlayer_lowered  }
0xa1: {  	s22 =	simm.s32 $0x1BFF;
	s21 =	sshll.u32 s7, $0x1;
	s4 =	sadd.s32 s19, s18  }
0xa2: {  	s8 =	simm.s32 $0x0;
	s20 =	sshll.u32 s6, $0x1;
	s6 =	sadd.s32 s21, s4  }
0xa3: {  	[timem:s8], [sflag:s22] =	dma.local [hbm:s6], s20  }
0xa4: {  	_ =	swait.ge [sflag:s22], s20  }
0xa5: {  	s5 =	ssub.s32 $0x0, s20;
	[sflag:s22] =	ssyncset.done $0x0  }
0xa6: {  	[sflag:s22] =	ssyncadd.s32 s5;
	_ =	sdelay $0x1  }
0xa7: {  	s23 =	simm.s32 $0x1B8B  }
0xa8: {  	_ =	swait.ge [sflag:s23], $0x1  }
0xa9: {  	[sflag:s23] =	ssyncset.done $0x0  }
0xaa: {  	s25 =	simm.s32 $0x1B8E;
	s24 =	sld [smem:$0x3FFE];
	[sflag:s23] =	ssyncadd.s32 $0xFFFFFFFF  }
0xab: {  	s26 =	simm.s32 $execute0_lowered;
	[smem:$0x3FD2] =	sst s25  }
0xac: {  	s6 =	sshll.u32 s26, $0x1;
	_ =	strace $0x8000004C;
	[dreg:$0x1] =	wrdreg $0xFFFFFFFF  }
0xad: {  	s28 =	simm.s32 $_size_execute0_lowered;
	s4 =	sadd.s32 s4, s6;
	[dreg:$0x0] =	wrdreg $0x0  }
0xae: {  	s6 =	sshll.u32 s28, $0x1;
	[dreg:$0x2] =	wrdreg s4  }
0xaf: {  	[dreg:$0x3] =	wrdreg s6  }
0xb0: {  	[dreg:$0x4] =	wrdreg $0xC0  }
0xb1: {  	_ =	task [dreg:s8], $0x5FFFF  }
0xb2: {  	[dreg:$0x1] =	wrdreg $0xFFFFFFFF  }
0xb3: {  	[dreg:$0x0] =	wrdreg $0x60  }
0xb4: {  	[dreg:$0x2] =	wrdreg s15  }
0xb5: {  	[dreg:$0x3] =	wrdreg s24  }
0xb6: {  	[dreg:$0x4] =	wrdreg s16  }
0xb7: {  	[dreg:$0x5] =	wrdreg $0x9  }
0xb8: {  	_ =	task.clear_ibuf [dreg:s8], $0x6FFFF;
	_ =	strace $0x9000004C  }
0xb9: {  	s29 =	simm.s32 $0x9;
	_ =	strace $0x8000004E  }
0xba: {  	_ =	swait.ge [sflag:s29], $0x1  }
0xbb: {  	[sflag:s29] =	ssyncadd.s32 $0xFFFFFFFF  }
0xbc: {  	_ =	strace $0x9000004E  }
0xbd: {  	_ =	sfence  }
0xbe: {  	s30 =	sld [smem:$0x0];
	_ =	sdelay $0x2  }
0xbf: {  	s31 =	sshll.u32 s1, $0xD;
	s1 =	sshrl.u32 s1, $0x2  }
0xc0: {  	s3 =	sand.u32 $0x4000, s31;
	s1 =	sadd.s32 s1, s30  }
0xc1: {  	s0 =	sor.u32 s3, s0;
	s1 =	sshll.u32 s1, $0x11  }
0xc2: {  	s0 =	sor.u32 s1, s0  }
0xc3: {  	s0 =	sadd.s32 $0x8F2B, s0  }
0xc4: {  	[sflag:s0] =	ssyncadd.remote.s32 $0x1  }
0xc5: {  	_ =	sfence.sel $0xFFFF  }
0xc6: {  	[dreg:$0x0] =	wrdreg $0xFFFFFFFF;
	(pc) =	sbr.abs _section_cstart, $3  }
0xc7: {  	[dreg:$0x1] =	wrdreg $0xFFFFFFFF  }
0xc8: {  	_ =	task.clear_ibuf [dreg:s8], $0x2FFFF;
	_ =	strace $0x9FFFFFFF  }
0xc9: {  	(tm) =	ssettm $0x7FFFFFFF  }
tec
execute0_lowered:
.L_overlay_start_1:
0x0: {  	(tag) =	ssettag $0x1  }
0x1: {  	s2 =	rddreg [dreg:$0x0]  }
0x2: {  	s4 =	rddreg [dreg:$0x1]  }
0x3: {  	s1 =	srdreg.scid;
	s0 =	stileid.u32  }
0x4: {  	s8 =	rddreg [dreg:$0x2];
	s22 =	sand.u32 $0x1, s1;
	s5 =	sshll.u32 s0, $0x1  }
0x5: {  	s3 =	simm.s32 $0x0;
	s1 =	rddreg [dreg:$0x3];
	s9 =	sor.u32 s22, s5  }
0x6: {  	[smem:$0x7FF] =	sst s3;
	s5 =	sshll.u32 s9, $0x7  }
0x7: {  	_ =	strace $0x8000004D;
	s5 =	sadd.s32 s4, s5;
	s4 =	simm.s32 $0x2  }
0x8: {  	[tilespmem:s3], [sflag:$0x2] =	stream.linear.gather [hbm4b:s5+s3], $0x80, $0x38;
	[tilespmem:$0x4080] =	vst v63  }
0x9: {  	_ =	swait.ge [sflag:s4], $0x80  }
0xa: {  	[sflag:s4] =	ssyncset.done $0x0  }
0xb: {  	s6 =	simm.s32 $0x80;
	s7 =	simm.s32 $0x1;
	[sflag:s4] =	ssyncadd.s32 $0xFFFFFF80  }
0xc: {  	[tilespmem:s6], [sflag:$0x1] =	stream.indirect.gather [hbm4b:s2+s6], $0x80, s3, s6, $0xb8;
	[tilespmem:$0x4080] =	vst v63  }
0xd: {  	_ =	swait.ge [sflag:s7], $0x4000  }
0xe: {  	s9 =	sshll.u32 s9, $0xE;
	[sflag:s7] =	ssyncset.done $0x0  }
0xf: {  	s8 =	sadd.s32 s8, s9;
	[sflag:s7] =	ssyncadd.s32 $0xFFFFC000  }
0x10: {  	[hbm4b:s8+s3] =	stream.linear.scatter [tilespmem:s6], [sflag:$0x2], $0x4000, $0x38;
	[tilespmem:$0x4080] =	vst v63  }
0x11: {  	_ =	swait.ge [sflag:s4], $0x4000  }
0x12: {  	[sflag:s4] =	ssyncset.done $0x0  }
0x13: {  	s9 =	sadd.s32 $0x10, s5;
	[sflag:s4] =	ssyncadd.s32 $0xFFFFC000  }
0x14: {  	[tilespmem:s3], [sflag:$0x2] =	stream.linear.gather [hbm4b:s9+s3], $0x80, $0x38;
	[tilespmem:$0x4080] =	vst v63  }
0x15: {  	_ =	swait.ge [sflag:s4], $0x80  }
0x16: {  	[sflag:s4] =	ssyncset.done $0x0  }
0x17: {  	[sflag:s4] =	ssyncadd.s32 $0xFFFFFF80  }
0x18: {  	[tilespmem:s6], [sflag:$0x1] =	stream.indirect.gather [hbm4b:s2+s6], $0x80, s3, s6, $0xb8;
	[tilespmem:$0x4080] =	vst v63  }
0x19: {  	_ =	swait.ge [sflag:s7], $0x4000  }
0x1a: {  	[sflag:s7] =	ssyncset.done $0x0  }
0x1b: {  	s10 =	sadd.s32 $0x800, s8;
	[sflag:s7] =	ssyncadd.s32 $0xFFFFC000  }
0x1c: {  	[hbm4b:s10+s3] =	stream.linear.scatter [tilespmem:s6], [sflag:$0x2], $0x4000, $0x38;
	[tilespmem:$0x4080] =	vst v63  }
0x1d: {  	_ =	swait.ge [sflag:s4], $0x4000  }
0x1e: {  	[sflag:s4] =	ssyncset.done $0x0  }
0x1f: {  	s11 =	sadd.s32 $0x20, s5;
	[sflag:s4] =	ssyncadd.s32 $0xFFFFC000  }
0x20: {  	[tilespmem:s3], [sflag:$0x2] =	stream.linear.gather [hbm4b:s11+s3], $0x80, $0x38;
	[tilespmem:$0x4080] =	vst v63  }
0x21: {  	_ =	swait.ge [sflag:s4], $0x80  }
0x22: {  	[sflag:s4] =	ssyncset.done $0x0  }
0x23: {  	[sflag:s4] =	ssyncadd.s32 $0xFFFFFF80  }
0x24: {  	[tilespmem:s6], [sflag:$0x1] =	stream.indirect.gather [hbm4b:s2+s6], $0x80, s3, s6, $0xb8;
	[tilespmem:$0x4080] =	vst v63  }
0x25: {  	_ =	swait.ge [sflag:s7], $0x4000  }
0x26: {  	[sflag:s7] =	ssyncset.done $0x0  }
0x27: {  	s12 =	sadd.s32 $0x1000, s8;
	[sflag:s7] =	ssyncadd.s32 $0xFFFFC000  }
0x28: {  	[hbm4b:s12+s3] =	stream.linear.scatter [tilespmem:s6], [sflag:$0x2], $0x4000, $0x38;
	[tilespmem:$0x4080] =	vst v63  }
0x29: {  	_ =	swait.ge [sflag:s4], $0x4000  }
0x2a: {  	[sflag:s4] =	ssyncset.done $0x0  }
0x2b: {  	s13 =	sadd.s32 $0x30, s5;
	[sflag:s4] =	ssyncadd.s32 $0xFFFFC000  }
0x2c: {  	[tilespmem:s3], [sflag:$0x2] =	stream.linear.gather [hbm4b:s13+s3], $0x80, $0x38;
	[tilespmem:$0x4080] =	vst v63  }
0x2d: {  	_ =	swait.ge [sflag:s4], $0x80  }
0x2e: {  	[sflag:s4] =	ssyncset.done $0x0  }
0x2f: {  	[sflag:s4] =	ssyncadd.s32 $0xFFFFFF80  }
0x30: {  	[tilespmem:s6], [sflag:$0x1] =	stream.indirect.gather [hbm4b:s2+s6], $0x80, s3, s6, $0xb8;
	[tilespmem:$0x4080] =	vst v63  }
0x31: {  	_ =	swait.ge [sflag:s7], $0x4000  }
0x32: {  	[sflag:s7] =	ssyncset.done $0x0  }
0x33: {  	s14 =	sadd.s32 $0x1800, s8;
	[sflag:s7] =	ssyncadd.s32 $0xFFFFC000  }
0x34: {  	[hbm4b:s14+s3] =	stream.linear.scatter [tilespmem:s6], [sflag:$0x2], $0x4000, $0x38;
	[tilespmem:$0x4080] =	vst v63  }
0x35: {  	_ =	swait.ge [sflag:s4], $0x4000  }
0x36: {  	[sflag:s4] =	ssyncset.done $0x0  }
0x37: {  	s15 =	sadd.s32 $0x40, s5;
	[sflag:s4] =	ssyncadd.s32 $0xFFFFC000  }
0x38: {  	[tilespmem:s3], [sflag:$0x2] =	stream.linear.gather [hbm4b:s15+s3], $0x80, $0x38;
	[tilespmem:$0x4080] =	vst v63  }
0x39: {  	_ =	swait.ge [sflag:s4], $0x80  }
0x3a: {  	[sflag:s4] =	ssyncset.done $0x0  }
0x3b: {  	[sflag:s4] =	ssyncadd.s32 $0xFFFFFF80  }
0x3c: {  	[tilespmem:s6], [sflag:$0x1] =	stream.indirect.gather [hbm4b:s2+s6], $0x80, s3, s6, $0xb8;
	[tilespmem:$0x4080] =	vst v63  }
0x3d: {  	_ =	swait.ge [sflag:s7], $0x4000  }
0x3e: {  	[sflag:s7] =	ssyncset.done $0x0  }
0x3f: {  	s16 =	sadd.s32 $0x2000, s8;
	[sflag:s7] =	ssyncadd.s32 $0xFFFFC000  }
0x40: {  	[hbm4b:s16+s3] =	stream.linear.scatter [tilespmem:s6], [sflag:$0x2], $0x4000, $0x38;
	[tilespmem:$0x4080] =	vst v63  }
0x41: {  	_ =	swait.ge [sflag:s4], $0x4000  }
0x42: {  	[sflag:s4] =	ssyncset.done $0x0  }
0x43: {  	s17 =	sadd.s32 $0x50, s5;
	[sflag:s4] =	ssyncadd.s32 $0xFFFFC000  }
0x44: {  	[tilespmem:s3], [sflag:$0x2] =	stream.linear.gather [hbm4b:s17+s3], $0x80, $0x38;
	[tilespmem:$0x4080] =	vst v63  }
0x45: {  	_ =	swait.ge [sflag:s4], $0x80  }
0x46: {  	[sflag:s4] =	ssyncset.done $0x0  }
0x47: {  	[sflag:s4] =	ssyncadd.s32 $0xFFFFFF80  }
0x48: {  	[tilespmem:s6], [sflag:$0x1] =	stream.indirect.gather [hbm4b:s2+s6], $0x80, s3, s6, $0xb8;
	[tilespmem:$0x4080] =	vst v63  }
0x49: {  	_ =	swait.ge [sflag:s7], $0x4000  }
0x4a: {  	[sflag:s7] =	ssyncset.done $0x0  }
0x4b: {  	s18 =	sadd.s32 $0x2800, s8;
	[sflag:s7] =	ssyncadd.s32 $0xFFFFC000  }
0x4c: {  	[hbm4b:s18+s3] =	stream.linear.scatter [tilespmem:s6], [sflag:$0x2], $0x4000, $0x38;
	[tilespmem:$0x4080] =	vst v63  }
0x4d: {  	_ =	swait.ge [sflag:s4], $0x4000  }
0x4e: {  	[sflag:s4] =	ssyncset.done $0x0  }
0x4f: {  	s19 =	sadd.s32 $0x60, s5;
	[sflag:s4] =	ssyncadd.s32 $0xFFFFC000  }
0x50: {  	[tilespmem:s3], [sflag:$0x2] =	stream.linear.gather [hbm4b:s19+s3], $0x80, $0x38;
	[tilespmem:$0x4080] =	vst v63  }
0x51: {  	_ =	swait.ge [sflag:s4], $0x80  }
0x52: {  	[sflag:s4] =	ssyncset.done $0x0  }
0x53: {  	[sflag:s4] =	ssyncadd.s32 $0xFFFFFF80  }
0x54: {  	[tilespmem:s6], [sflag:$0x1] =	stream.indirect.gather [hbm4b:s2+s6], $0x80, s3, s6, $0xb8;
	[tilespmem:$0x4080] =	vst v63  }
0x55: {  	_ =	swait.ge [sflag:s7], $0x4000  }
0x56: {  	[sflag:s7] =	ssyncset.done $0x0  }
0x57: {  	s20 =	sadd.s32 $0x3000, s8;
	[sflag:s7] =	ssyncadd.s32 $0xFFFFC000  }
0x58: {  	[hbm4b:s20+s3] =	stream.linear.scatter [tilespmem:s6], [sflag:$0x2], $0x4000, $0x38;
	[tilespmem:$0x4080] =	vst v63  }
0x59: {  	_ =	swait.ge [sflag:s4], $0x4000  }
0x5a: {  	[sflag:s4] =	ssyncset.done $0x0  }
0x5b: {  	s22 =	ssub.s32 $0x2, s22;
	s21 =	sadd.s32 $0x70, s5;
	[sflag:s4] =	ssyncadd.s32 $0xFFFFC000  }
0x5c: {  	[tilespmem:s3], [sflag:$0x2] =	stream.linear.gather [hbm4b:s21+s3], $0x80, $0x38;
	[tilespmem:$0x4080] =	vst v63  }
0x5d: {  	s23 =	sshrl.u32 s22, $0x1;
	_ =	swait.ge [sflag:s4], $0x80  }
0x5e: {  	s23 =	ssub.s32 s22, s23;
	[sflag:s4] =	ssyncset.done $0x0  }
0x5f: {  	s23 =	smax.u32 s23, $0x1;
	[sflag:s4] =	ssyncadd.s32 $0xFFFFFF80  }
0x60: {  	[tilespmem:s6], [sflag:$0x1] =	stream.indirect.gather [hbm4b:s2+s6], $0x80, s3, s6, $0xb8;
	[tilespmem:$0x4080] =	vst v63  }
0x61: {  	p0 =	sne.s32 s23, $0x1;
	_ =	swait.ge [sflag:s7], $0x4000  }
.Ltmp0:
0x62: {  	[sflag:s7] =	ssyncset.done $0x0;
	(pc) =	sbr.rel @!p0 .LBB2_2-.Ltmp0, $4  }
0x63: {  	s22 =	sadd.s32 $0x3800, s8;
	[sflag:s7] =	ssyncadd.s32 $0xFFFFC000  }
0x64: {  	[hbm4b:s22+s3] =	stream.linear.scatter [tilespmem:s6], [sflag:$0x2], $0x4000, $0x38;
	[tilespmem:$0x4080] =	vst v63  }
0x65: {  	_ =	swait.ge [sflag:s4], $0x4000  }
0x66: {  	s23 =	sadd.s32 $0xFFFFFFFF, s23;
	[sflag:s4] =	ssyncset.done $0x0  }
.LBB2_1:
0x67: {  	p0 =	sne.s32 s23, $0x1;
	s23 =	sadd.s32 $0xFFFFFFFF, s23;
	[sflag:s4] =	ssyncadd.s32 $0xFFFFC000  }
0x68: {  	[tilespmem:s3], [sflag:$0x2] =	stream.linear.gather [hbm4b:s5+s3], $0x80, $0x38;
	[tilespmem:$0x4080] =	vst v63  }
0x69: {  	_ =	swait.ge [sflag:s4], $0x80  }
0x6a: {  	[sflag:s4] =	ssyncset.done $0x0  }
0x6b: {  	[sflag:s4] =	ssyncadd.s32 $0xFFFFFF80  }
0x6c: {  	[tilespmem:s6], [sflag:$0x1] =	stream.indirect.gather [hbm4b:s2+s6], $0x80, s3, s6, $0xb8;
	[tilespmem:$0x4080] =	vst v63  }
0x6d: {  	_ =	swait.ge [sflag:s7], $0x4000  }
0x6e: {  	[sflag:s7] =	ssyncset.done $0x0  }
0x6f: {  	[sflag:s7] =	ssyncadd.s32 $0xFFFFC000  }
0x70: {  	[hbm4b:s8+s3] =	stream.linear.scatter [tilespmem:s6], [sflag:$0x2], $0x4000, $0x38;
	[tilespmem:$0x4080] =	vst v63  }
0x71: {  	_ =	swait.ge [sflag:s4], $0x4000  }
0x72: {  	[sflag:s4] =	ssyncset.done $0x0  }
0x73: {  	[sflag:s4] =	ssyncadd.s32 $0xFFFFC000  }
0x74: {  	[tilespmem:s3], [sflag:$0x2] =	stream.linear.gather [hbm4b:s9+s3], $0x80, $0x38;
	[tilespmem:$0x4080] =	vst v63  }
0x75: {  	_ =	swait.ge [sflag:s4], $0x80  }
0x76: {  	[sflag:s4] =	ssyncset.done $0x0  }
0x77: {  	[sflag:s4] =	ssyncadd.s32 $0xFFFFFF80  }
0x78: {  	[tilespmem:s6], [sflag:$0x1] =	stream.indirect.gather [hbm4b:s2+s6], $0x80, s3, s6, $0xb8;
	[tilespmem:$0x4080] =	vst v63  }
0x79: {  	_ =	swait.ge [sflag:s7], $0x4000  }
0x7a: {  	[sflag:s7] =	ssyncset.done $0x0  }
0x7b: {  	[sflag:s7] =	ssyncadd.s32 $0xFFFFC000  }
0x7c: {  	[hbm4b:s10+s3] =	stream.linear.scatter [tilespmem:s6], [sflag:$0x2], $0x4000, $0x38;
	[tilespmem:$0x4080] =	vst v63  }
0x7d: {  	_ =	swait.ge [sflag:s4], $0x4000  }
0x7e: {  	[sflag:s4] =	ssyncset.done $0x0  }
0x7f: {  	[sflag:s4] =	ssyncadd.s32 $0xFFFFC000  }
0x80: {  	[tilespmem:s3], [sflag:$0x2] =	stream.linear.gather [hbm4b:s11+s3], $0x80, $0x38;
	[tilespmem:$0x4080] =	vst v63  }
0x81: {  	_ =	swait.ge [sflag:s4], $0x80  }
0x82: {  	[sflag:s4] =	ssyncset.done $0x0  }
0x83: {  	[sflag:s4] =	ssyncadd.s32 $0xFFFFFF80  }
0x84: {  	[tilespmem:s6], [sflag:$0x1] =	stream.indirect.gather [hbm4b:s2+s6], $0x80, s3, s6, $0xb8;
	[tilespmem:$0x4080] =	vst v63  }
0x85: {  	_ =	swait.ge [sflag:s7], $0x4000  }
0x86: {  	[sflag:s7] =	ssyncset.done $0x0  }
0x87: {  	[sflag:s7] =	ssyncadd.s32 $0xFFFFC000  }
0x88: {  	[hbm4b:s12+s3] =	stream.linear.scatter [tilespmem:s6], [sflag:$0x2], $0x4000, $0x38;
	[tilespmem:$0x4080] =	vst v63  }
0x89: {  	_ =	swait.ge [sflag:s4], $0x4000  }
0x8a: {  	[sflag:s4] =	ssyncset.done $0x0  }
0x8b: {  	[sflag:s4] =	ssyncadd.s32 $0xFFFFC000  }
0x8c: {  	[tilespmem:s3], [sflag:$0x2] =	stream.linear.gather [hbm4b:s13+s3], $0x80, $0x38;
	[tilespmem:$0x4080] =	vst v63  }
0x8d: {  	_ =	swait.ge [sflag:s4], $0x80  }
0x8e: {  	[sflag:s4] =	ssyncset.done $0x0  }
0x8f: {  	[sflag:s4] =	ssyncadd.s32 $0xFFFFFF80  }
0x90: {  	[tilespmem:s6], [sflag:$0x1] =	stream.indirect.gather [hbm4b:s2+s6], $0x80, s3, s6, $0xb8;
	[tilespmem:$0x4080] =	vst v63  }
0x91: {  	_ =	swait.ge [sflag:s7], $0x4000  }
0x92: {  	[sflag:s7] =	ssyncset.done $0x0  }
0x93: {  	[sflag:s7] =	ssyncadd.s32 $0xFFFFC000  }
0x94: {  	[hbm4b:s14+s3] =	stream.linear.scatter [tilespmem:s6], [sflag:$0x2], $0x4000, $0x38;
	[tilespmem:$0x4080] =	vst v63  }
0x95: {  	_ =	swait.ge [sflag:s4], $0x4000  }
0x96: {  	[sflag:s4] =	ssyncset.done $0x0  }
0x97: {  	[sflag:s4] =	ssyncadd.s32 $0xFFFFC000  }
0x98: {  	[tilespmem:s3], [sflag:$0x2] =	stream.linear.gather [hbm4b:s15+s3], $0x80, $0x38;
	[tilespmem:$0x4080] =	vst v63  }
0x99: {  	_ =	swait.ge [sflag:s4], $0x80  }
0x9a: {  	[sflag:s4] =	ssyncset.done $0x0  }
0x9b: {  	[sflag:s4] =	ssyncadd.s32 $0xFFFFFF80  }
0x9c: {  	[tilespmem:s6], [sflag:$0x1] =	stream.indirect.gather [hbm4b:s2+s6], $0x80, s3, s6, $0xb8;
	[tilespmem:$0x4080] =	vst v63  }
0x9d: {  	_ =	swait.ge [sflag:s7], $0x4000  }
0x9e: {  	[sflag:s7] =	ssyncset.done $0x0  }
0x9f: {  	[sflag:s7] =	ssyncadd.s32 $0xFFFFC000  }
0xa0: {  	[hbm4b:s16+s3] =	stream.linear.scatter [tilespmem:s6], [sflag:$0x2], $0x4000, $0x38;
	[tilespmem:$0x4080] =	vst v63  }
0xa1: {  	_ =	swait.ge [sflag:s4], $0x4000  }
0xa2: {  	[sflag:s4] =	ssyncset.done $0x0  }
0xa3: {  	[sflag:s4] =	ssyncadd.s32 $0xFFFFC000  }
0xa4: {  	[tilespmem:s3], [sflag:$0x2] =	stream.linear.gather [hbm4b:s17+s3], $0x80, $0x38;
	[tilespmem:$0x4080] =	vst v63  }
0xa5: {  	_ =	swait.ge [sflag:s4], $0x80  }
0xa6: {  	[sflag:s4] =	ssyncset.done $0x0  }
0xa7: {  	[sflag:s4] =	ssyncadd.s32 $0xFFFFFF80  }
0xa8: {  	[tilespmem:s6], [sflag:$0x1] =	stream.indirect.gather [hbm4b:s2+s6], $0x80, s3, s6, $0xb8;
	[tilespmem:$0x4080] =	vst v63  }
0xa9: {  	_ =	swait.ge [sflag:s7], $0x4000  }
0xaa: {  	[sflag:s7] =	ssyncset.done $0x0  }
0xab: {  	[sflag:s7] =	ssyncadd.s32 $0xFFFFC000  }
0xac: {  	[hbm4b:s18+s3] =	stream.linear.scatter [tilespmem:s6], [sflag:$0x2], $0x4000, $0x38;
	[tilespmem:$0x4080] =	vst v63  }
0xad: {  	_ =	swait.ge [sflag:s4], $0x4000  }
0xae: {  	[sflag:s4] =	ssyncset.done $0x0  }
0xaf: {  	[sflag:s4] =	ssyncadd.s32 $0xFFFFC000  }
0xb0: {  	[tilespmem:s3], [sflag:$0x2] =	stream.linear.gather [hbm4b:s19+s3], $0x80, $0x38;
	[tilespmem:$0x4080] =	vst v63  }
0xb1: {  	_ =	swait.ge [sflag:s4], $0x80  }
0xb2: {  	[sflag:s4] =	ssyncset.done $0x0  }
0xb3: {  	[sflag:s4] =	ssyncadd.s32 $0xFFFFFF80  }
0xb4: {  	[tilespmem:s6], [sflag:$0x1] =	stream.indirect.gather [hbm4b:s2+s6], $0x80, s3, s6, $0xb8;
	[tilespmem:$0x4080] =	vst v63  }
0xb5: {  	_ =	swait.ge [sflag:s7], $0x4000  }
0xb6: {  	[sflag:s7] =	ssyncset.done $0x0  }
0xb7: {  	[sflag:s7] =	ssyncadd.s32 $0xFFFFC000  }
0xb8: {  	[hbm4b:s20+s3] =	stream.linear.scatter [tilespmem:s6], [sflag:$0x2], $0x4000, $0x38;
	[tilespmem:$0x4080] =	vst v63  }
0xb9: {  	_ =	swait.ge [sflag:s4], $0x4000  }
0xba: {  	[sflag:s4] =	ssyncset.done $0x0  }
0xbb: {  	[sflag:s4] =	ssyncadd.s32 $0xFFFFC000  }
0xbc: {  	[tilespmem:s3], [sflag:$0x2] =	stream.linear.gather [hbm4b:s21+s3], $0x80, $0x38;
	[tilespmem:$0x4080] =	vst v63  }
0xbd: {  	_ =	swait.ge [sflag:s4], $0x80  }
0xbe: {  	[sflag:s4] =	ssyncset.done $0x0  }
0xbf: {  	[sflag:s4] =	ssyncadd.s32 $0xFFFFFF80  }
0xc0: {  	[tilespmem:s6], [sflag:$0x1] =	stream.indirect.gather [hbm4b:s2+s6], $0x80, s3, s6, $0xb8;
	[tilespmem:$0x4080] =	vst v63  }
0xc1: {  	_ =	swait.ge [sflag:s7], $0x4000  }
.Ltmp1:
0xc2: {  	[sflag:s7] =	ssyncset.done $0x0;
	(pc) =	sbr.rel @p0 .LBB2_1-.Ltmp1, $4  }
0xc3: {  	[sflag:s7] =	ssyncadd.s32 $0xFFFFC000  }
0xc4: {  	[hbm4b:s22+s3] =	stream.linear.scatter [tilespmem:s6], [sflag:$0x2], $0x4000, $0x38;
	[tilespmem:$0x4080] =	vst v63  }
0xc5: {  	_ =	swait.ge [sflag:s4], $0x4000  }
0xc6: {  	[sflag:s4] =	ssyncset.done $0x0  }
.LBB2_2:
0xc7: {  	[sflag:s4] =	ssyncadd.s32 $0xFFFFC000  }
0xc8: {  	_ =	sfence.sel $0x180000  }
0xc9: {  	[bflag:$0x0] =	sbarrier.arrive $0xFFFF  }
0xca: {  	p0 =	sne.s32 s0, $0x0;
	_ =	strace $0x9000004D  }
0xcb: {  	s0 =	sadd.s32 @!p0 $0x100000, s1;
	[bflag:$0x2] =	sbarrier.arrive $0xFFFF  }
0xcc: {  	[sflag:s0] =	ssyncadd.tile.s32 @!p0 $0x1;
	_ =	shalt  }
.Lfunc_end2:
_tile_overlayer_lowered:
.L_overlay_start_2:
0xcd: {  	(tag) =	ssettag $0x2  }
0xce: {  	s0 =	rddreg [dreg:$0x0];
	s2 =	stileid.u32  }
0xcf: {  	s1 =	rddreg [dreg:$0x1];
	p0 =	sne.s32 s2, $0x0  }
0xd0: {  	s3 =	rddreg [dreg:$0x2];
	[bflag:$0x3] =	sbarrier.arrive $0xFFFF;
	s2 =	simm.s32 @!p0 $0x1C02  }
0xd1: {  	[timem:s3], [sflag:s2] =	dma.local @!p0 [hbm:s0], s1  }
0xd2: {  	s0 =	simm.s32 @!p0 $0x2  }
0xd3: {  	_ =	swait.ge @!p0 [sflag:s0], s1  }
0xd4: {  	s1 =	ssub.s32 @!p0 $0x0, s1;
	[sflag:s0] =	ssyncset.done @!p0 $0x0  }
0xd5: {  	[sflag:s0] =	ssyncadd.s32 @!p0 s1  }
0xd6: {  	[bflag:$0x3] =	sbarrier.arrive $0xFFFF  }
0xd7: {  	_ =	shalt  }

// kernel: sparse-core-data-format-call.1.cloned.1.call-start
scs
called_computation.1_lowered:
.L_overlay_start_0:
0x0: {  	s1 =	sld [smem:$0x3FD9]  }
0x1: {  	s2 =	sld [smem:$0x3FFE];
	_ =	sdelay $0x1  }
0x2: {  	s3 =	srdreg.scid  }
0x3: {  	s0 =	sand.u32 $0x1, s3  }
0x4: {  	s17 =	sshll.u32 s0, $0xA;
	s1 =	sadd.s32 s2, s1  }
0x5: {  	s1 =	sadd.s32 s1, s17  }
0x6: {  	[smem:$0x3FC4] =	sst s1  }
0x7: {  	_ = 	snop  }
0x8: {  	(tm) =	ssettm $0x1  }
0x9: {  	s18 =	sld [smem:$0x3FFB];
	_ =	sdelay $0x3  }
0xa: {  	_ =	strace s18  }
0xb: {  	s1 =	sld [smem:$0x3FFC];
	_ =	sdelay $0x3  }
0xc: {  	_ =	strace s1  }
0xd: {  	s1 =	sld [smem:$0x3FFD];
	_ =	sdelay $0x3  }
0xe: {  	_ =	strace s1  }
0xf: {  	_ =	strace $0x8FFFFFFF  }
0x10: {  	s19 =	sld [smem:$0x3FDB];
	_ =	sdelay $0x1  }
0x11: {  	s20 =	simm.s32 $_scs_section_size  }
0x12: {  	s4 =	simm.s32 $_size__tile_overlayer_lowered;
	s5 =	simm.s32 $_tile_overlayer_lowered  }
0x13: {  	s23 =	simm.s32 $0x1BFF;
	s22 =	sshll.u32 s5, $0x1;
	s1 =	sadd.s32 s20, s19  }
0x14: {  	s6 =	simm.s32 $0x0;
	s21 =	sshll.u32 s4, $0x1;
	s4 =	sadd.s32 s22, s1  }
0x15: {  	[timem:s6], [sflag:s23] =	dma.local [hbm:s4], s21  }
0x16: {  	_ =	swait.ge [sflag:s23], s21  }
0x17: {  	s2 =	ssub.s32 $0x0, s21;
	[sflag:s23] =	ssyncset.done $0x0  }
0x18: {  	[sflag:s23] =	ssyncadd.s32 s2;
	_ =	sdelay $0x1  }
0x19: {  	s24 =	simm.s32 $0x1B8B  }
0x1a: {  	_ =	swait.ge [sflag:s24], $0x1  }
0x1b: {  	[sflag:s24] =	ssyncset.done $0x0  }
0x1c: {  	s26 =	simm.s32 $0x1B8E;
	s25 =	sld [smem:$0x3FFE];
	[sflag:s24] =	ssyncadd.s32 $0xFFFFFFFF  }
0x1d: {  	s27 =	simm.s32 $execute0_lowered;
	[smem:$0x3FD2] =	sst s26  }
0x1e: {  	s4 =	sshll.u32 s27, $0x1;
	_ =	strace $0x80000046;
	[dreg:$0x1] =	wrdreg $0xFFFFFFFF  }
0x1f: {  	s28 =	simm.s32 $_size_execute0_lowered;
	s1 =	sadd.s32 s1, s4;
	[dreg:$0x0] =	wrdreg $0x0  }
0x20: {  	s4 =	sshll.u32 s28, $0x1;
	[dreg:$0x2] =	wrdreg s1  }
0x21: {  	[dreg:$0x3] =	wrdreg s4  }
0x22: {  	[dreg:$0x4] =	wrdreg $0xC0  }
0x23: {  	_ =	task [dreg:s6], $0x5FFFF  }
0x24: {  	[dreg:$0x1] =	wrdreg $0xFFFFFFFF  }
0x25: {  	[dreg:$0x0] =	wrdreg $0x60  }
0x26: {  	[dreg:$0x2] =	wrdreg s25  }
0x27: {  	[dreg:$0x3] =	wrdreg $0xA  }
0x28: {  	_ =	task.clear_ibuf [dreg:s6], $0x4FFFF;
	_ =	strace $0x90000046  }
0x29: {  	s29 =	simm.s32 $0xA;
	_ =	strace $0x80000048  }
0x2a: {  	_ =	swait.ge [sflag:s29], $0x1  }
0x2b: {  	[sflag:s29] =	ssyncadd.s32 $0xFFFFFFFF  }
0x2c: {  	_ =	strace $0x90000048  }
0x2d: {  	_ =	sfence  }
0x2e: {  	s30 =	sld [smem:$0x0];
	_ =	sdelay $0x2  }
0x2f: {  	s31 =	sshll.u32 s3, $0xD;
	s3 =	sshrl.u32 s3, $0x2  }
0x30: {  	s2 =	sand.u32 $0x4000, s31;
	s1 =	sadd.s32 s3, s30  }
0x31: {  	s0 =	sor.u32 s2, s0;
	s1 =	sshll.u32 s1, $0x11  }
0x32: {  	s0 =	sor.u32 s1, s0  }
0x33: {  	s0 =	sadd.s32 $0x8F2B, s0  }
0x34: {  	[sflag:s0] =	ssyncadd.remote.s32 $0x1  }
0x35: {  	_ =	sfence.sel $0xFFFF  }
0x36: {  	[dreg:$0x0] =	wrdreg $0xFFFFFFFF;
	(pc) =	sbr.abs _section_cstart, $3  }
0x37: {  	[dreg:$0x1] =	wrdreg $0xFFFFFFFF  }
0x38: {  	_ =	task.clear_ibuf [dreg:s6], $0x2FFFF;
	_ =	strace $0x9FFFFFFF  }
0x39: {  	(tm) =	ssettm $0x7FFFFFFF  }
tec
execute0_lowered:
.L_overlay_start_1:
0x0: {  	(tag) =	ssettag $0x1  }
0x1: {  	s0 =	srdreg.scid  }
0x2: {  	s1 =	sshll.u32 s0, $0x4  }
0x3: {  	s0 =	stileid.u32;
	s1 =	sand.u32 $0x10, s1  }
0x4: {  	s1 =	sor.u32 s0, s1  }
0x5: {  	s4 =	simm.s32 $0x1;
	s2 =	sshll.u32 s1, $0x7  }
0x6: {  	s7 =	simm.s32 $0x2;
	s13 =	simm.s32 $0x0;
	s1 =	ssub.s32 $0x4000, s2  }
0x7: {  	s8 =	simm.s32 $0x1400;
	s12 =	simm.s32 $0x0;
	s3 =	sand.u32 $0xF80, s1  }
0x8: {  	s10 =	simm.s32 $0x0;
	s5 =	sshrl.u32 s1, $0xC;
	p0 =	sne.s32 s3, $0x0  }
.Ltmp0:
0x9: {  	s1 =	rddreg [dreg:$0x1];
	s4 =	simm.s32 @!p0 $0x0;
	(pc) =	sbr.rel .LBB1_1-.Ltmp0, $4  }
0xa: {  	s11 =	simm.s32 $0x0;
	s3 =	rddreg [dreg:$0x0];
	s5 =	sadd.s32 s4, s5  }
0xb: {  	_ =	strace $0x80000047;
	s4 =	simm.s32 $0x1;
	s5 =	smul.u32 $0x5, s5  }
0xc: {  	s9 =	smov.u32 s2;
	s6 =	sadd.s32 $0x140000, s3;
	[sflag:s4] =	ssyncpa.u1 $0x0  }
0xd: {  	p0 =	por $0x0, $0x0;
	[sflag:s7] =	ssyncpa.u1 $0x0;
	s7 =	sadd.s32 $0x1, s5  }
.LBB1_4:
0xe: {  	s19 =	sshrl.u32 s13, $0x3  }
0xf: {  	s20 =	sshll.u32 s12, $0x3;
	s19 =	smul.u32 $0x1400, s19  }
0x10: {  	s29 =	sshll.u32 s13, $0x7;
	s20 =	sand.u32 $0xFFFFFC00, s20  }
0x11: {  	v5 =	vld [tilespmem:s17+$0xFFFFFFD0];
	[tilespmem:s16+$0x2040 ss:$0x81] =	vst.msk $0xffff, v4;
	s13 =	sand.u32 $0x380, s29;
	s19 =	sadd.s32 s20, s19  }
0x12: {  	v58 =	vld [tilespmem:s17+$0xFFFFFFE0];
	[tilespmem:s16+$0x2850 ss:$0x81] =	vst.msk $0xffff, v3;
	s30 =	sand.u32 $0x7F, s12;
	s13 =	sor.u32 s13, s19  }
0x13: {  	s18 =	sshra.s32 s18, $0x2;
	v59 =	vld [tilespmem:s17+$0xFFFFFFF0];
	[tilespmem:s16+$0x3060 ss:$0x81] =	vst.msk $0xffff, v2;
	s12 =	sor.u32 s30, s13  }
0x14: {  	v60 =	vld [tilespmem:s17+$0x0];
	[tilespmem:s16+$0x0 ss:$0x81] =	vst.msk $0xffff, v0;
	s15 =	sadd.s32 s18, s15;
	s31 =	smulhi.u32 $0xCCCCCCCD, s12  }
0x15: {  	v61 =	vld [tilespmem:s17+$0x10];
	[tilespmem:s15+$0x3870 ss:$0x81] =	vst.msk $0xffff, v1  }
0x16: {  	v62 =	vld [tilespmem:s17+$0x20];
	[tilespmem:s15+$0x810 ss:$0x81] =	vst.msk $0xffff, v5;
	s13 =	smulhi.u32 $0xCCCCCCCD, s13;
	s16 =	sshrl.u32 s31, $0x9  }
0x17: {  	v63 =	vld [tilespmem:s17+$0xFFFFFFC0];
	[tilespmem:s15+$0x1020 ss:$0x81] =	vst.msk $0xffff, v58;
	s16 =	smul.u32 $0x280, s16  }
0x18: {  	[tilespmem:s15+$0x1830 ss:$0x81] =	vst.msk $0xffff, v59;
	s13 =	sshrl.u32 s13, $0x9  }
0x19: {  	[tilespmem:s15+$0x2040 ss:$0x81] =	vst.msk $0xffff, v60;
	s13 =	sand.u32 $0x3FFF, s13;
	s12 =	ssub.s32 s12, s16  }
0x1a: {  	[tilespmem:s15+$0x2850 ss:$0x81] =	vst.msk $0xffff, v61;
	s13 =	smul.u32 $0x50, s13;
	s16 =	sshrl.u32 s12, $0x3;
	s12 =	sand.u32 $0x7, s12  }
0x1b: {  	[tilespmem:s15+$0x3060 ss:$0x81] =	vst.msk $0xffff, v62;
	s16 =	sadd.s32 s6, s16;
	s12 =	sshll.u32 s12, $0x12  }
0x1c: {  	[tilespmem:s15+$0x0 ss:$0x81] =	vst.msk $0xffff, v63;
	s13 =	sadd.s32 s13, s16;
	s12 =	sor.u32 $0x400, s12  }
0x1d: {  	[hbm4b:s13+s12] =	stream.strided.scatter [tilespmem:s14], [sflag:$0x2], $0x4000, s8, s12, $0x20;
	[tilespmem:$0x10100] =	vst v63  }
.LBB1_5:
0x1e: {  	s14 =	sadd.s32 $0x1000, s9  }
0x1f: {  	s12 =	sadd.s32 $0x80, s10;
	s16 =	smov.u32 s10;
	p2 =	sgt.s32 s14, $0x3FFF  }
0x20: {  	s16 =	smov.u32 @p2 s12  }
0x21: {  	s14 =	smov.u32 @p2 s2;
	p2 =	sgt.s32 s16, $0x27F  }
0x22: {  	s16 =	simm.s32 @p2 $0x0;
	p2 =	sne.s32 s11, s7  }
.Ltmp1:
0x23: {  	p1 =	slt.u32 s11, $0x2;
	(pc) =	sbr.rel @!p2 .LBB1_6-.Ltmp1, $4  }
0x24: {  	s15 =	simm.s32 @!p1 $0x2  }
0x25: {  	s13 =	smov.u32 s9;
	p0 =	por !p0, !p0;
	_ =	swait.ge @!p1 [sflag:s15], $0x4000  }
0x26: {  	s12 =	smov.u32 s10;
	[sflag:s15] =	ssyncset.done @!p1 $0x0;
	s9 =	smov.u32 s14  }
0x27: {  	s11 =	sadd.s32 $0x1, s11;
	[sflag:s15] =	ssyncadd.s32 @!p1 $0xFFFFC000;
	s10 =	smov.u32 s16  }
.LBB1_1:
0x28: {  	p1 =	sge.u32 s11, s5  }
0x29: {  	s14 =	sshll.u32 @!p1 s10, $0xE  }
0x2a: {  	s15 =	sshll.u32 @!p1 s9, $0x3;
	s14 =	sand.u32 @!p1 $0xFFFE0000, s14  }
0x2b: {  	s14 =	sadd.s32 @!p1 s14, s15  }
0x2c: {  	s16 =	sshll.u32 @!p1 s10, $0x7;
	s14 =	sshrl.u32 @!p1 s14, $0xE  }
0x2d: {  	s17 =	sand.u32 @!p1 $0x78, s9;
	s16 =	sand.u32 @!p1 $0x380, s16;
	s18 =	smulhi.u32 @!p1 $0x666667, s14  }
0x2e: {  	s31 =	sadd.s32 $0xFFFFFFFF, s11;
	s16 =	sor.u32 @!p1 s16, s17  }
0x2f: {  	s17 =	sxor.u32 @!p1 $0xFFFFFFFF, s11;
	s15 =	sand.u32 @!p1 $0x3C00, s15;
	s18 =	smul.u32 @!p1 $0x280, s18  }
0x30: {  	s17 =	sshll.u32 @!p1 s17, $0xE;
	s15 =	sor.u32 @!p1 s15, s16;
	s16 =	sand.u32 @!p1 $0x7, s9  }
0x31: {  	s17 =	sand.u32 @!p1 $0x4000, s17;
	s15 =	sshrl.u32 @!p1 s15, $0x3;
	s14 =	ssub.s32 @!p1 s14, s18  }
0x32: {  	s16 =	sshll.u32 @!p1 s16, $0x12;
	s15 =	sadd.s32 @!p1 s3, s15;
	s14 =	sshll.u32 @!p1 s14, $0xB  }
0x33: {  	s14 =	sadd.s32 @!p1 s14, s15;
	s15 =	sor.u32 @!p1 $0x400, s16;
	s16 =	simm.s32 @!p1 $0x20000  }
0x34: {  	[tilespmem:s17], [sflag:$0x1] =	stream.strided.gather @!p1 [hbm4b:s14+s15], $0x4000, s16, s15, $0x38;
	[tilespmem:$0x10100] =	vst v63  }
0x35: {  	p1 =	sge.u32 s31, s5  }
.Ltmp2:
0x36: {  	_ = 	snop;
	(pc) =	sbr.rel @p1 .LBB1_5-.Ltmp2, $1  }
0x37: {  	_ =	sdelay $0x3  }
0x38: {  	s14 =	simm.s32 $0x1  }
0x39: {  	_ =	swait.ge [sflag:s4], $0x4000;
	s14 =	simm.s32 @!p0 $0x0  }
0x3a: {  	[sflag:s4] =	ssyncset.done $0x0;
	s15 =	sshll.u32 s14, $0xE  }
0x3b: {  	[sflag:s4] =	ssyncadd.s32 $0xFFFFC000;
	s17 =	sor.u32 $0x40, s15  }
0x3c: {  	s14 =	smul.u32 $0x10200, s14;
	v0 =	vld [tilespmem:s17+$0x30]  }
0x3d: {  	v1 =	vld [tilespmem:s17+$0xFFFFFFD0]  }
0x3e: {  	s14 =	sshrl.u32 s14, $0x2;
	v5 =	vld [tilespmem:s17+$0xFFFFFFE0]  }
0x3f: {  	v6 =	vld [tilespmem:s17+$0xFFFFFFF0];
	s15 =	sor.u32 $0x8000, s14  }
0x40: {  	s31 =	sand.u32 $0x1, s11;
	v4 =	vld [tilespmem:s17+$0x0];
	s16 =	sadd.s32 $0x0, s15  }
0x41: {  	v3 =	vld [tilespmem:s17+$0x10];
	s14 =	smul.u32 $0x10200, s31;
	[tilespmem:s16+$0x3870 ss:$0x81] =	vst.msk $0xffff, v0  }
0x42: {  	v2 =	vld [tilespmem:s17+$0x20];
	[tilespmem:s16+$0x810 ss:$0x81] =	vst.msk $0xffff, v1  }
0x43: {  	s14 =	sshrl.u32 s14, $0x2;
	v0 =	vld [tilespmem:s17+$0xFFFFFFC0];
	[tilespmem:s16+$0x1020 ss:$0x81] =	vst.msk $0xffff, v5;
	s17 =	sadd.s32 $0x80, s17  }
0x44: {  	s18 =	simm.s32 $0x4;
	s19 =	simm.s32 $0x8;
	s14 =	sor.u32 $0x8000, s14;
	[tilespmem:s16+$0x1830 ss:$0x81] =	vst.msk $0xffff, v6;
	v1 =	vld [tilespmem:s17+$0x30]  }
.LBB1_3:
0x45: {  	p1 =	sne.s32 s19, $0x1FC;
	v5 =	vld [tilespmem:s17+$0xFFFFFFD0];
	[tilespmem:s16+$0x2040 ss:$0x81] =	vst.msk $0xffff, v4  }
0x46: {  	v6 =	vld [tilespmem:s17+$0xFFFFFFE0];
	[tilespmem:s16+$0x2850 ss:$0x81] =	vst.msk $0xffff, v3  }
0x47: {  	s20 =	sshra.s32 s18, $0x2;
	s18 =	smov.u32 s19;
	v7 =	vld [tilespmem:s17+$0xFFFFFFF0];
	[tilespmem:s16+$0x3060 ss:$0x81] =	vst.msk $0xffff, v2  }
.Ltmp3:
0x48: {  	v4 =	vld [tilespmem:s17+$0x0];
	[tilespmem:s16+$0x0 ss:$0x81] =	vst.msk $0xffff, v0;
	s16 =	sadd.s32 s20, s15;
	(pc) =	sbr.rel @p1 .LBB1_3-.Ltmp3, $4  }
0x49: {  	v3 =	vld [tilespmem:s17+$0x10];
	[tilespmem:s16+$0x3870 ss:$0x81] =	vst.msk $0xffff, v1  }
0x4a: {  	[tilespmem:s16+$0x810 ss:$0x81] =	vst.msk $0xffff, v5;
	v2 =	vld [tilespmem:s17+$0x20]  }
0x4b: {  	v0 =	vld [tilespmem:s17+$0xFFFFFFC0];
	[tilespmem:s16+$0x1020 ss:$0x81] =	vst.msk $0xffff, v6;
	s17 =	sadd.s32 $0x80, s17  }
0x4c: {  	s19 =	sadd.s32 $0x4, s19;
	v1 =	vld [tilespmem:s17+$0x30];
	[tilespmem:s16+$0x1830 ss:$0x81] =	vst.msk $0xffff, v7  }
.Ltmp4:
0x4d: {  	_ = 	snop;
	(pc) =	sbr.rel .LBB1_4-.Ltmp4, $1  }
0x4e: {  	_ =	sdelay $0x3  }
.LBB1_6:
0x4f: {  	_ =	sfence.sel $0x180000  }
0x50: {  	s2 =	simm.s32 $0x1;
	[bflag:$0x0] =	sbarrier.arrive $0xFFFF  }
0x51: {  	s31 =	simm.s32 $0x2;
	[sflag:s2] =	ssyncpa.u1 $0x1  }
0x52: {  	[sflag:s31] =	ssyncpa.u1 $0x1  }
0x53: {  	p0 =	sne.s32 s0, $0x0;
	_ =	strace $0x90000047  }
0x54: {  	s0 =	sadd.s32 @!p0 $0x100000, s1;
	[bflag:$0x2] =	sbarrier.arrive $0xFFFF  }
0x55: {  	[sflag:s0] =	ssyncadd.tile.s32 @!p0 $0x1;
	_ =	shalt  }
.Lfunc_end1:
_tile_overlayer_lowered:
.L_overlay_start_2:
0x56: {  	(tag) =	ssettag $0x2  }
0x57: {  	s0 =	rddreg [dreg:$0x0];
	s2 =	stileid.u32  }
0x58: {  	s1 =	rddreg [dreg:$0x1];
	p0 =	sne.s32 s2, $0x0  }
0x59: {  	s3 =	rddreg [dreg:$0x2];
	[bflag:$0x3] =	sbarrier.arrive $0xFFFF;
	s2 =	simm.s32 @!p0 $0x1C01  }
0x5a: {  	[timem:s3], [sflag:s2] =	dma.local @!p0 [hbm:s0], s1  }
0x5b: {  	s0 =	simm.s32 @!p0 $0x1  }
0x5c: {  	_ =	swait.ge @!p0 [sflag:s0], s1  }
0x5d: {  	s1 =	ssub.s32 @!p0 $0x0, s1;
	[sflag:s0] =	ssyncset.done @!p0 $0x0  }
0x5e: {  	[sflag:s0] =	ssyncadd.s32 @!p0 s1  }
0x5f: {  	[bflag:$0x3] =	sbarrier.arrive $0xFFFF  }
0x60: {  	_ =	shalt  }

// kernel: sparse-core-data-format-call.cloned.1.call-start
scs
called_computation_lowered:
.L_overlay_start_0:
0x0: {  	s2 =	sld [smem:$0x3FD9]  }
0x1: {  	s3 =	sld [smem:$0x3FFE];
	_ =	sdelay $0x1  }
0x2: {  	s1 =	srdreg.scid  }
0x3: {  	s0 =	sand.u32 $0x1, s1  }
0x4: {  	s18 =	sshll.u32 s0, $0xA;
	s2 =	sadd.s32 s3, s2  }
0x5: {  	s2 =	sadd.s32 s2, s18  }
0x6: {  	[smem:$0x3FC4] =	sst s2  }
0x7: {  	_ = 	snop  }
0x8: {  	(tm) =	ssettm $0x1  }
0x9: {  	s19 =	sld [smem:$0x3FFB];
	_ =	sdelay $0x3  }
0xa: {  	_ =	strace s19  }
0xb: {  	s2 =	sld [smem:$0x3FFC];
	_ =	sdelay $0x3  }
0xc: {  	_ =	strace s2  }
0xd: {  	s2 =	sld [smem:$0x3FFD];
	_ =	sdelay $0x3  }
0xe: {  	_ =	strace s2  }
0xf: {  	_ =	strace $0x8FFFFFFF  }
0x10: {  	s20 =	sld [smem:$0x3FDB];
	_ =	sdelay $0x1  }
0x11: {  	s21 =	simm.s32 $_scs_section_size  }
0x12: {  	s4 =	simm.s32 $_size__tile_overlayer_lowered;
	s5 =	simm.s32 $_tile_overlayer_lowered  }
0x13: {  	s6 =	simm.s32 $0x1BFF;
	s22 =	sshll.u32 s5, $0x1;
	s3 =	sadd.s32 s21, s20  }
0x14: {  	s23 =	simm.s32 $0x0;
	s4 =	sshll.u32 s4, $0x1;
	s5 =	sadd.s32 s22, s3  }
0x15: {  	[timem:s23], [sflag:s6] =	dma.local [hbm:s5], s4  }
0x16: {  	_ =	swait.ge [sflag:s6], s4  }
0x17: {  	s4 =	ssub.s32 $0x0, s4;
	[sflag:s6] =	ssyncset.done $0x0  }
0x18: {  	[sflag:s6] =	ssyncadd.s32 s4;
	_ =	sdelay $0x1  }
0x19: {  	s24 =	simm.s32 $0x1B8B  }
0x1a: {  	_ =	swait.ge [sflag:s24], $0x1  }
0x1b: {  	[sflag:s24] =	ssyncset.done $0x0  }
0x1c: {  	[sflag:s24] =	ssyncadd.s32 $0xFFFFFFFF  }
0x1d: {  	s4 =	sld [smem:$0x0]  }
0x1e: {  	s5 =	sand.u32 $0xFFFFFFFE, s1  }
0x1f: {  	p0 =	sne.s32 s1, s5  }
0x20: {  	s5 =	sshll.u32 @p0 s5, $0xE  }
0x21: {  	s5 =	sadd.s32 @p0 $0x11B8D, s5;
	s6 =	sshll.u32 @p0 s4, $0x11  }
0x22: {  	s5 =	sor.u32 @p0 s6, s5  }
0x23: {  	[sflag:s5] =	ssyncadd.remote.s32 @p0 $0x1;
	_ =	sdelay $0x1  }
0x24: {  	s5 =	simm.s32 @p0 $0x1B8D  }
0x25: {  	_ =	swait.eq @p0 [sflag:s5], $0x1  }
0x26: {  	[sflag:s5] =	ssyncadd.s32 @p0 $0xFFFFFFFF  }
0x27: {  	s6 =	sshll.u32 @!p0 s1, $0xE  }
0x28: {  	s6 =	sor.u32 @!p0 $0x4000, s6;
	s5 =	simm.s32 @!p0 $0x1B8D  }
0x29: {  	s4 =	sshll.u32 @!p0 s4, $0x11;
	s6 =	sadd.s32 @!p0 $0x11B8D, s6;
	_ =	swait.eq @!p0 [sflag:s5], $0x1  }
0x2a: {  	s4 =	sor.u32 @!p0 s4, s6;
	[sflag:s5] =	ssyncadd.s32 @!p0 $0xFFFFFFFF  }
0x2b: {  	s26 =	simm.s32 $0x1B8E;
	s25 =	sld [smem:$0x3FFE];
	[sflag:s4] =	ssyncadd.remote.s32 @!p0 $0x1  }
0x2c: {  	s27 =	simm.s32 $execute0_lowered;
	[smem:$0x3FD2] =	sst s26  }
0x2d: {  	s5 =	sshll.u32 s27, $0x1;
	_ =	strace $0x80000049;
	[dreg:$0x1] =	wrdreg $0xFFFFFFFF  }
0x2e: {  	s28 =	simm.s32 $_size_execute0_lowered;
	s3 =	sadd.s32 s3, s5;
	[dreg:$0x0] =	wrdreg $0x0  }
0x2f: {  	s5 =	sshll.u32 s28, $0x1;
	[dreg:$0x2] =	wrdreg s3  }
0x30: {  	[dreg:$0x3] =	wrdreg s5  }
0x31: {  	[dreg:$0x4] =	wrdreg $0xC0  }
0x32: {  	_ =	task [dreg:s23], $0x5FFFF  }
0x33: {  	[dreg:$0x1] =	wrdreg $0xFFFFFFFF  }
0x34: {  	[dreg:$0x0] =	wrdreg $0x60  }
0x35: {  	[dreg:$0x2] =	wrdreg s25  }
0x36: {  	[dreg:$0x3] =	wrdreg $0x9  }
0x37: {  	_ =	task.clear_ibuf [dreg:s23], $0x4FFFF;
	_ =	strace $0x90000049  }
0x38: {  	s29 =	simm.s32 $0x9;
	_ =	strace $0x8000004B  }
0x39: {  	_ =	swait.ge [sflag:s29], $0x1  }
0x3a: {  	[sflag:s29] =	ssyncadd.s32 $0xFFFFFFFF  }
0x3b: {  	_ =	strace $0x9000004B  }
0x3c: {  	_ =	sfence  }
0x3d: {  	s30 =	sld [smem:$0x0];
	_ =	sdelay $0x2  }
0x3e: {  	s31 =	sshll.u32 s1, $0xD;
	s1 =	sshrl.u32 s1, $0x2  }
0x3f: {  	s4 =	sand.u32 $0x4000, s31;
	s1 =	sadd.s32 s1, s30  }
0x40: {  	s0 =	sor.u32 s4, s0;
	s1 =	sshll.u32 s1, $0x11  }
0x41: {  	s0 =	sor.u32 s1, s0  }
0x42: {  	s0 =	sadd.s32 $0x8F2B, s0  }
0x43: {  	[sflag:s0] =	ssyncadd.remote.s32 $0x1  }
0x44: {  	_ =	sfence.sel $0xFFFF  }
0x45: {  	[dreg:$0x0] =	wrdreg $0xFFFFFFFF;
	(pc) =	sbr.abs _section_cstart, $3  }
0x46: {  	[dreg:$0x1] =	wrdreg $0xFFFFFFFF  }
0x47: {  	_ =	task.clear_ibuf [dreg:s23], $0x2FFFF;
	_ =	strace $0x9FFFFFFF  }
0x48: {  	(tm) =	ssettm $0x7FFFFFFF  }
0x49: {  	_ =	shalt  }
tec
execute0_lowered:
.L_overlay_start_1:
0x0: {  	(tag) =	ssettag $0x1  }
0x1: {  	s0 =	srdreg.scid  }
0x2: {  	s1 =	sshll.u32 s0, $0x4  }
0x3: {  	s0 =	stileid.u32;
	s1 =	sand.u32 $0x10, s1  }
0x4: {  	s1 =	sor.u32 s0, s1  }
0x5: {  	s6 =	rddreg [dreg:$0x0];
	s7 =	simm.s32 $0x2;
	s2 =	sshll.u32 s1, $0x7  }
0x6: {  	s13 =	simm.s32 $0x0;
	s8 =	simm.s32 $0x1400;
	s1 =	ssub.s32 $0x4000, s2  }
0x7: {  	s12 =	simm.s32 $0x0;
	s10 =	simm.s32 $0x0;
	s3 =	sand.u32 $0xF80, s1  }
0x8: {  	s11 =	simm.s32 $0x0;
	p0 =	sne.s32 s3, $0x0;
	s3 =	simm.s32 $0x1  }
.Ltmp0:
0x9: {  	s4 =	sshrl.u32 s1, $0xC;
	s3 =	simm.s32 @!p0 $0x0;
	(pc) =	sbr.rel .LBB1_1-.Ltmp0, $4  }
0xa: {  	s5 =	sadd.s32 $0x280000, s6;
	s1 =	rddreg [dreg:$0x1];
	s4 =	sadd.s32 s3, s4  }
0xb: {  	_ =	strace $0x8000004A;
	s3 =	simm.s32 $0x1;
	s4 =	smul.u32 $0x5, s4  }
0xc: {  	s6 =	sadd.s32 $0x3C0000, s6;
	s9 =	smov.u32 s2;
	[sflag:s3] =	ssyncpa.u1 $0x0  }
0xd: {  	p0 =	por $0x0, $0x0;
	[sflag:s7] =	ssyncpa.u1 $0x0;
	s7 =	sadd.s32 $0x1, s4  }
.LBB1_4:
0xe: {  	s19 =	sshrl.u32 s13, $0x3  }
0xf: {  	s20 =	sshll.u32 s12, $0x3;
	s19 =	smul.u32 $0x1400, s19  }
0x10: {  	s29 =	sshll.u32 s13, $0x7;
	s20 =	sand.u32 $0xFFFFFC00, s20  }
0x11: {  	v5 =	vld [tilespmem:s17+$0xFFFFFFD0];
	[tilespmem:s16+$0x2040 ss:$0x81] =	vst.msk $0xffff, v4;
	s13 =	sand.u32 $0x380, s29;
	s19 =	sadd.s32 s20, s19  }
0x12: {  	v58 =	vld [tilespmem:s17+$0xFFFFFFE0];
	[tilespmem:s16+$0x2850 ss:$0x81] =	vst.msk $0xffff, v3;
	s30 =	sand.u32 $0x7F, s12;
	s13 =	sor.u32 s13, s19  }
0x13: {  	s18 =	sshra.s32 s18, $0x2;
	v59 =	vld [tilespmem:s17+$0xFFFFFFF0];
	[tilespmem:s16+$0x3060 ss:$0x81] =	vst.msk $0xffff, v2;
	s12 =	sor.u32 s30, s13  }
0x14: {  	v60 =	vld [tilespmem:s17+$0x0];
	[tilespmem:s16+$0x0 ss:$0x81] =	vst.msk $0xffff, v0;
	s15 =	sadd.s32 s18, s15;
	s31 =	smulhi.u32 $0xCCCCCCCD, s12  }
0x15: {  	v61 =	vld [tilespmem:s17+$0x10];
	[tilespmem:s15+$0x3870 ss:$0x81] =	vst.msk $0xffff, v1  }
0x16: {  	v62 =	vld [tilespmem:s17+$0x20];
	[tilespmem:s15+$0x810 ss:$0x81] =	vst.msk $0xffff, v5;
	s13 =	smulhi.u32 $0xCCCCCCCD, s13;
	s16 =	sshrl.u32 s31, $0x9  }
0x17: {  	v63 =	vld [tilespmem:s17+$0xFFFFFFC0];
	[tilespmem:s15+$0x1020 ss:$0x81] =	vst.msk $0xffff, v58;
	s16 =	smul.u32 $0x280, s16  }
0x18: {  	[tilespmem:s15+$0x1830 ss:$0x81] =	vst.msk $0xffff, v59;
	s13 =	sshrl.u32 s13, $0x9  }
0x19: {  	[tilespmem:s15+$0x2040 ss:$0x81] =	vst.msk $0xffff, v60;
	s13 =	sand.u32 $0x3FFF, s13;
	s12 =	ssub.s32 s12, s16  }
0x1a: {  	[tilespmem:s15+$0x2850 ss:$0x81] =	vst.msk $0xffff, v61;
	s13 =	smul.u32 $0x50, s13;
	s16 =	sshrl.u32 s12, $0x3;
	s12 =	sand.u32 $0x7, s12  }
0x1b: {  	[tilespmem:s15+$0x3060 ss:$0x81] =	vst.msk $0xffff, v62;
	s16 =	sadd.s32 s6, s16;
	s12 =	sshll.u32 s12, $0x12  }
0x1c: {  	[tilespmem:s15+$0x0 ss:$0x81] =	vst.msk $0xffff, v63;
	s13 =	sadd.s32 s13, s16;
	s12 =	sor.u32 $0x400, s12  }
0x1d: {  	[hbm4b:s13+s12] =	stream.strided.scatter [tilespmem:s14], [sflag:$0x2], $0x4000, s8, s12, $0x20;
	[tilespmem:$0x10100] =	vst v63  }
.LBB1_5:
0x1e: {  	s14 =	sadd.s32 $0x1000, s9  }
0x1f: {  	s12 =	sadd.s32 $0x80, s10;
	s16 =	smov.u32 s10;
	p2 =	sgt.s32 s14, $0x3FFF  }
0x20: {  	s16 =	smov.u32 @p2 s12  }
0x21: {  	s14 =	smov.u32 @p2 s2;
	p2 =	sgt.s32 s16, $0x27F  }
0x22: {  	s16 =	simm.s32 @p2 $0x0;
	p2 =	sne.s32 s11, s7  }
.Ltmp1:
0x23: {  	p1 =	slt.u32 s11, $0x2;
	(pc) =	sbr.rel @!p2 .LBB1_6-.Ltmp1, $4  }
0x24: {  	s15 =	simm.s32 @!p1 $0x2  }
0x25: {  	s13 =	smov.u32 s9;
	p0 =	por !p0, !p0;
	_ =	swait.ge @!p1 [sflag:s15], $0x4000  }
0x26: {  	s12 =	smov.u32 s10;
	[sflag:s15] =	ssyncset.done @!p1 $0x0;
	s9 =	smov.u32 s14  }
0x27: {  	s11 =	sadd.s32 $0x1, s11;
	[sflag:s15] =	ssyncadd.s32 @!p1 $0xFFFFC000;
	s10 =	smov.u32 s16  }
.LBB1_1:
0x28: {  	p1 =	sge.u32 s11, s4  }
0x29: {  	s14 =	sshll.u32 @!p1 s10, $0xE  }
0x2a: {  	s15 =	sshll.u32 @!p1 s9, $0x3;
	s14 =	sand.u32 @!p1 $0xFFFE0000, s14  }
0x2b: {  	s14 =	sadd.s32 @!p1 s14, s15  }
0x2c: {  	s16 =	sshll.u32 @!p1 s10, $0x7;
	s14 =	sshrl.u32 @!p1 s14, $0xE  }
0x2d: {  	s17 =	sand.u32 @!p1 $0x78, s9;
	s16 =	sand.u32 @!p1 $0x380, s16;
	s18 =	smulhi.u32 @!p1 $0x666667, s14  }
0x2e: {  	s31 =	sadd.s32 $0xFFFFFFFF, s11;
	s16 =	sor.u32 @!p1 s16, s17  }
0x2f: {  	s17 =	sxor.u32 @!p1 $0xFFFFFFFF, s11;
	s15 =	sand.u32 @!p1 $0x3C00, s15;
	s18 =	smul.u32 @!p1 $0x280, s18  }
0x30: {  	s17 =	sshll.u32 @!p1 s17, $0xE;
	s15 =	sor.u32 @!p1 s15, s16;
	s16 =	sand.u32 @!p1 $0x7, s9  }
0x31: {  	s17 =	sand.u32 @!p1 $0x4000, s17;
	s15 =	sshrl.u32 @!p1 s15, $0x3;
	s14 =	ssub.s32 @!p1 s14, s18  }
0x32: {  	s16 =	sshll.u32 @!p1 s16, $0x12;
	s15 =	sadd.s32 @!p1 s5, s15;
	s14 =	sshll.u32 @!p1 s14, $0xB  }
0x33: {  	s14 =	sadd.s32 @!p1 s14, s15;
	s15 =	sor.u32 @!p1 $0x400, s16;
	s16 =	simm.s32 @!p1 $0x20000  }
0x34: {  	[tilespmem:s17], [sflag:$0x1] =	stream.strided.gather @!p1 [hbm4b:s14+s15], $0x4000, s16, s15, $0x38;
	[tilespmem:$0x10100] =	vst v63  }
0x35: {  	p1 =	sge.u32 s31, s4  }
.Ltmp2:
0x36: {  	_ = 	snop;
	(pc) =	sbr.rel @p1 .LBB1_5-.Ltmp2, $1  }
0x37: {  	_ =	sdelay $0x3  }
0x38: {  	s14 =	simm.s32 $0x1  }
0x39: {  	_ =	swait.ge [sflag:s3], $0x4000;
	s14 =	simm.s32 @!p0 $0x0  }
0x3a: {  	[sflag:s3] =	ssyncset.done $0x0;
	s15 =	sshll.u32 s14, $0xE  }
0x3b: {  	[sflag:s3] =	ssyncadd.s32 $0xFFFFC000;
	s17 =	sor.u32 $0x40, s15  }
0x3c: {  	s14 =	smul.u32 $0x10200, s14;
	v0 =	vld [tilespmem:s17+$0x30]  }
0x3d: {  	v1 =	vld [tilespmem:s17+$0xFFFFFFD0]  }
0x3e: {  	s14 =	sshrl.u32 s14, $0x2;
	v5 =	vld [tilespmem:s17+$0xFFFFFFE0]  }
0x3f: {  	v6 =	vld [tilespmem:s17+$0xFFFFFFF0];
	s15 =	sor.u32 $0x8000, s14  }
0x40: {  	s31 =	sand.u32 $0x1, s11;
	v4 =	vld [tilespmem:s17+$0x0];
	s16 =	sadd.s32 $0x0, s15  }
0x41: {  	v3 =	vld [tilespmem:s17+$0x10];
	s14 =	smul.u32 $0x10200, s31;
	[tilespmem:s16+$0x3870 ss:$0x81] =	vst.msk $0xffff, v0  }
0x42: {  	v2 =	vld [tilespmem:s17+$0x20];
	[tilespmem:s16+$0x810 ss:$0x81] =	vst.msk $0xffff, v1  }
0x43: {  	s14 =	sshrl.u32 s14, $0x2;
	v0 =	vld [tilespmem:s17+$0xFFFFFFC0];
	[tilespmem:s16+$0x1020 ss:$0x81] =	vst.msk $0xffff, v5;
	s17 =	sadd.s32 $0x80, s17  }
0x44: {  	s18 =	simm.s32 $0x4;
	s19 =	simm.s32 $0x8;
	s14 =	sor.u32 $0x8000, s14;
	[tilespmem:s16+$0x1830 ss:$0x81] =	vst.msk $0xffff, v6;
	v1 =	vld [tilespmem:s17+$0x30]  }
.LBB1_3:
0x45: {  	p1 =	sne.s32 s19, $0x1FC;
	v5 =	vld [tilespmem:s17+$0xFFFFFFD0];
	[tilespmem:s16+$0x2040 ss:$0x81] =	vst.msk $0xffff, v4  }
0x46: {  	v6 =	vld [tilespmem:s17+$0xFFFFFFE0];
	[tilespmem:s16+$0x2850 ss:$0x81] =	vst.msk $0xffff, v3  }
0x47: {  	s20 =	sshra.s32 s18, $0x2;
	s18 =	smov.u32 s19;
	v7 =	vld [tilespmem:s17+$0xFFFFFFF0];
	[tilespmem:s16+$0x3060 ss:$0x81] =	vst.msk $0xffff, v2  }
.Ltmp3:
0x48: {  	v4 =	vld [tilespmem:s17+$0x0];
	[tilespmem:s16+$0x0 ss:$0x81] =	vst.msk $0xffff, v0;
	s16 =	sadd.s32 s20, s15;
	(pc) =	sbr.rel @p1 .LBB1_3-.Ltmp3, $4  }
0x49: {  	v3 =	vld [tilespmem:s17+$0x10];
	[tilespmem:s16+$0x3870 ss:$0x81] =	vst.msk $0xffff, v1  }
0x4a: {  	[tilespmem:s16+$0x810 ss:$0x81] =	vst.msk $0xffff, v5;
	v2 =	vld [tilespmem:s17+$0x20]  }
0x4b: {  	v0 =	vld [tilespmem:s17+$0xFFFFFFC0];
	[tilespmem:s16+$0x1020 ss:$0x81] =	vst.msk $0xffff, v6;
	s17 =	sadd.s32 $0x80, s17  }
0x4c: {  	s19 =	sadd.s32 $0x4, s19;
	v1 =	vld [tilespmem:s17+$0x30];
	[tilespmem:s16+$0x1830 ss:$0x81] =	vst.msk $0xffff, v7  }
.Ltmp4:
0x4d: {  	_ = 	snop;
	(pc) =	sbr.rel .LBB1_4-.Ltmp4, $1  }
0x4e: {  	_ =	sdelay $0x3  }
.LBB1_6:
0x4f: {  	_ =	sfence.sel $0x180000  }
0x50: {  	s2 =	simm.s32 $0x1;
	[bflag:$0x0] =	sbarrier.arrive $0xFFFF  }
0x51: {  	s31 =	simm.s32 $0x2;
	[sflag:s2] =	ssyncpa.u1 $0x1  }
0x52: {  	[sflag:s31] =	ssyncpa.u1 $0x1  }
0x53: {  	p0 =	sne.s32 s0, $0x0;
	_ =	strace $0x9000004A  }
0x54: {  	s0 =	sadd.s32 @!p0 $0x100000, s1;
	[bflag:$0x2] =	sbarrier.arrive $0xFFFF  }
0x55: {  	[sflag:s0] =	ssyncadd.tile.s32 @!p0 $0x1;
	_ =	shalt  }
.Lfunc_end1:
_tile_overlayer_lowered:
.L_overlay_start_2:
0x56: {  	(tag) =	ssettag $0x2  }
0x57: {  	s0 =	rddreg [dreg:$0x0];
	s2 =	stileid.u32  }
0x58: {  	s1 =	rddreg [dreg:$0x1];
	p0 =	sne.s32 s2, $0x0  }
0x59: {  	s3 =	rddreg [dreg:$0x2];
	[bflag:$0x3] =	sbarrier.arrive $0xFFFF;
	s2 =	simm.s32 @!p0 $0x1C01  }
0x5a: {  	[timem:s3], [sflag:s2] =	dma.local @!p0 [hbm:s0], s1  }
0x5b: {  	s0 =	simm.s32 @!p0 $0x1  }
0x5c: {  	_ =	swait.ge @!p0 [sflag:s0], s1  }
0x5d: {  	s1 =	ssub.s32 @!p0 $0x0, s1;
	[sflag:s0] =	ssyncset.done @!p0 $0x0  }
0x5e: {  	[sflag:s0] =	ssyncadd.s32 @!p0 s1  }
0x5f: {  	[bflag:$0x3] =	sbarrier.arrive $0xFFFF  }
0x60: {  	_ =	shalt  }

</sc_bundles>
